<compile_context>
chip_gen: v7x
topology: tpu7x:2x2x1
jax: 0.10.2.dev20260603
libtpu: 0.0.44.dev20260713+nightly
codegen_flags: <defaults>
</compile_context>

<pallas_src>
import functools

import jax
import jax.numpy as jnp
from jax import lax
from jax.experimental import pallas as pl
from jax.experimental.pallas import tpu as pltpu
from jax.experimental.pallas import tpu_sc as plsc

_LANES = 512
_ROWS = 2 * 512 * 40
_SC_D1 = 448
_TC_ROWS = (512 + _SC_D1) * 40
_SC_ROWS = _ROWS - _TC_ROWS
_BLOCK_ROWS = 1920

_NC, _NS = 2, 16
_NW = _NC * _NS
_ROWS_PER_W = _SC_ROWS // _NW
_CROWS = 16
_NCHUNK = _ROWS_PER_W // _CROWS
_CGROUPS = _LANES // 16

_LP = (1.4709377958029698e-06, 0.99984772525462, -0.4973734077959428,
       0.31574786947421507, -0.19035508404628199, 0.0826916958575542,
       -0.01741417587554822)



def _focal_block_kernel(x_ref, w_ref, pm_ref, out_ref, accn_ref, accd_ref):
    i = pl.program_id(0)

    @pl.when(i == 0)
    def _init():
        accn_ref[...] = jnp.zeros_like(accn_ref)
        accd_ref[...] = jnp.zeros_like(accd_ref)

    def body(j, carry):
        an, ad = carry
        x = x_ref[pl.ds(j * 8, 8), :]
        pm = pm_ref[pl.ds(j * 8, 8), :].astype(jnp.int32)
        tb = (pm & 1) > 0
        wm = w_ref[pl.ds(j * 8, 8), :] * (pm >> 4).astype(jnp.float32)

        z = jnp.where(tb, -x, x)
        u = jnp.exp(-jnp.abs(x))
        d = 1.0 + u
        r = 1.0 / d
        pt = jnp.where(z >= 0.0, r, 1.0 - r)
        bce = jnp.maximum(z, 0.0) + jnp.log(d)
        alpha_w = jnp.where(tb, 0.25, 0.75)
        contrib = (alpha_w * wm) * (pt * pt) * bce
        return an + contrib, ad + wm

    zero = jnp.zeros((8, _LANES), jnp.float32)
    an, ad = jax.lax.fori_loop(0, _BLOCK_ROWS // 8, body, (zero, zero),
                               unroll=8)
    accn_ref[...] += an
    accd_ref[...] += ad

    @pl.when(i == pl.num_programs(0) - 1)
    def _finish():
        out_ref[0, 0] = jnp.sum(accn_ref[...])
        out_ref[0, 1] = jnp.sum(accd_ref[...])


def _tc_call(x2, w2, pm2):
    grid = _TC_ROWS // _BLOCK_ROWS
    return pl.pallas_call(
        _focal_block_kernel,
        grid=(grid,),
        in_specs=[
            pl.BlockSpec((_BLOCK_ROWS, _LANES), lambda i: (i, 0)),
            pl.BlockSpec((_BLOCK_ROWS, _LANES), lambda i: (i, 0)),
            pl.BlockSpec((_BLOCK_ROWS, _LANES), lambda i: (i, 0)),
        ],
        out_specs=pl.BlockSpec((1, 2), lambda i: (0, 0),
                               memory_space=pltpu.SMEM),
        out_shape=jax.ShapeDtypeStruct((1, 2), jnp.float32),
        scratch_shapes=[
            pltpu.VMEM((8, _LANES), jnp.float32),
            pltpu.VMEM((8, _LANES), jnp.float32),
        ],
    )(x2, w2, pm2)



def _log1p_poly(u):
    acc = jnp.full((16,), _LP[6], jnp.float32)
    for c in (_LP[5], _LP[4], _LP[3], _LP[2], _LP[1], _LP[0]):
        acc = acc * u + c
    return acc


def _vgather(v, idx):
    return lax.gather(
        v, idx[:, None],
        lax.GatherDimensionNumbers(
            offset_dims=(), collapsed_slice_dims=(0,), start_index_map=(0,)),
        slice_sizes=(1,),
        mode=lax.GatherScatterMode.PROMISE_IN_BOUNDS)


def _sc_body(x_hbm, w_hbm, pm_hbm, out_hbm, xb, wb, pmb, accb):
    wid = lax.axis_index("s") * _NC + lax.axis_index("c")
    row_base = _TC_ROWS + wid * _ROWS_PER_W
    wrow_base = wid * _ROWS_PER_W
    lanes = lax.iota(jnp.int32, 16)
    lane_div4 = lax.shift_right_logical(lanes, 2)
    byte_shift = (lanes & 3) * 8

    def chunk_body(k, carry):
        r0 = pl.multiple_of(row_base + k * _CROWS, _CROWS)
        wr0 = pl.multiple_of(wrow_base + k * _CROWS, _CROWS)
        pltpu.sync_copy(x_hbm.at[pl.ds(r0, _CROWS), :], xb)
        pltpu.sync_copy(w_hbm.at[pl.ds(r0, _CROWS), :], wb)
        pltpu.sync_copy(pm_hbm.at[pl.ds(wr0, _CROWS), :], pmb)

        def row_body(r, carry2):
            def col_body(c, carry3):
                accn3, accd3 = carry3
                wstart = jnp.minimum(4 * c, (_LANES // 4) - 16)
                rel = 4 * c - wstart
                pmw16 = pmb[r, pl.ds(wstart, 16)]
                gidx = rel + lane_div4
                pmw = _vgather(pmw16, gidx)
                pmbyte = lax.shift_right_logical(pmw, byte_shift) & 0xFF
                pbit = pmbyte & 0xF
                mbit = lax.shift_right_logical(pmbyte, 4)
                xv = xb[r, pl.ds(c * 16, 16)]
                wv = wb[r, pl.ds(c * 16, 16)]
                tsel = pbit != 0
                wm = jnp.where(mbit != 0, wv, 0.0)
                z = jnp.where(tsel, -xv, xv)
                u = jnp.exp(-jnp.abs(xv))
                d = 1.0 + u
                rr = 1.0 / d
                pt = jnp.where(z >= 0.0, rr, 1.0 - rr)
                bce = jnp.maximum(z, 0.0) + _log1p_poly(u)
                aw = jnp.where(tsel, 0.25, 0.75)
                accn3 = accn3 + (aw * wm) * (pt * pt) * bce
                accd3 = accd3 + wm
                return accn3, accd3

            return lax.fori_loop(0, _CGROUPS, col_body, carry2)

        return lax.fori_loop(0, _CROWS, row_body, carry)

    zero = jnp.zeros((16,), jnp.float32)
    accn, accd = lax.fori_loop(0, _NCHUNK, chunk_body, (zero, zero))
    accb[0, :] = accn
    accb[1, :] = accd
    pltpu.sync_copy(accb, out_hbm.at[pl.ds(wid * 2, 2)])


_sc_call = functools.partial(
    pl.kernel,
    mesh=plsc.VectorSubcoreMesh(core_axis_name="c", subcore_axis_name="s"),
    out_type=jax.ShapeDtypeStruct((_NW * 2, 16), jnp.float32),
    scratch_types=[
        pltpu.VMEM((_CROWS, _LANES), jnp.float32),
        pltpu.VMEM((_CROWS, _LANES), jnp.float32),
        pltpu.VMEM((_CROWS, _LANES // 4), jnp.int32),
        pltpu.VMEM((2, 16), jnp.float32),
    ],
)(_sc_body)



def _as_native_2d(a):
    b, d1, d2, d3 = a.shape
    return a.transpose(0, 1, 3, 2).reshape(b * d1 * d3, d2)


def _pack_words_2d(pos4d, m4d):
    b, d1, d2, d3 = pos4d.shape
    p5 = pos4d.reshape(b, d1, d2 // 4, 4, d3)
    m5 = m4d.reshape(b, d1, d2 // 4, 4, d3)
    consts = jnp.array([1, 1 << 8, 1 << 16, 1 << 24], jnp.int32)
    cc = consts[None, None, None, :, None]
    w = jnp.sum(p5 * cc + m5 * (cc << 4), axis=3)
    return w.transpose(0, 1, 3, 2).reshape(b * d1 * d3, d2 // 4)


def kernel(pred_occ_logit, general_cls_loss_mask_float, pos_mask, general_cls_loss_mask):
    b, _, d1, d2, d3 = pred_occ_logit.shape
    x2 = _as_native_2d(pred_occ_logit.reshape(b, d1, d2, d3))
    w2 = _as_native_2d(general_cls_loss_mask_float)
    pm2 = _as_native_2d(pos_mask.astype(jnp.int8)
                        | (general_cls_loss_mask.astype(jnp.int8) << 4))
    pmw = _pack_words_2d(pos_mask[1:, _SC_D1:],
                         general_cls_loss_mask[1:, _SC_D1:])

    sc_parts = _sc_call(x2, w2, pmw)
    tc_part = _tc_call(x2, w2, pm2)

    num = tc_part[0, 0] + jnp.sum(sc_parts[0::2])
    den = tc_part[0, 1] + jnp.sum(sc_parts[1::2])
    return num / jnp.maximum(den, 1.0)

# --- scband reference (transcript-rebuilt; emitter-appended) ---
"""Pipeline reference for scband-occ-head-template-30322469109761 (READ-ONLY COPY).

The authoritative reference and input builder live on the scoring server;
editing this copy changes nothing except your own understanding.
"""

import jax, jax.numpy as jnp
import numpy as np

ALPHA = 0.25
GAMMA = 2.0
OCC_FORE_CLS_WEIGHT = 1.0


def _sigmoid_focal_loss(logits, targets):
    # SigmoidFocalClassificationLoss (OpenPCDet-style), elementwise, weights=None
    pred_sigmoid = jax.nn.sigmoid(logits)
    alpha_weight = targets * ALPHA + (1.0 - targets) * (1.0 - ALPHA)
    pt = targets * (1.0 - pred_sigmoid) + (1.0 - targets) * pred_sigmoid
    focal_weight = alpha_weight * jnp.power(pt, GAMMA)
    bce = jnp.maximum(logits, 0.0) - logits * targets + jnp.log1p(jnp.exp(-jnp.abs(logits)))
    return focal_weight * bce


def setup_inputs(seed: int = 0) -> dict:
    key = jax.random.key(seed)
    k1, k2, k3, k4 = jax.random.split(key, 4)
    B, d1, d2, d3 = 2, 512, 512, 40
    pred_occ_logit = jax.random.normal(k1, (B, 1, d1, d2, d3), dtype=jnp.float32)
    pos_mask = jax.random.randint(k2, (B, d1, d2, d3), 0, 2).astype(bool)
    general_cls_loss_mask = jax.random.randint(k3, (B, d1, d2, d3), 0, 2).astype(bool)
    general_cls_loss_mask_float = jax.random.uniform(k4, (B, d1, d2, d3), dtype=jnp.float32)
    return {
        "pred_occ_logit": pred_occ_logit,
        "general_cls_loss_mask_float": general_cls_loss_mask_float,
        "pos_mask": pos_mask,
        "general_cls_loss_mask": general_cls_loss_mask,
    }


def reference(pred_occ_logit, general_cls_loss_mask_float, pos_mask, general_cls_loss_mask):
    # get_cls_layer_loss (is_softmax=False, reg=False):
    pos = pos_mask.astype(pred_occ_logit.dtype)
    complimentary = jnp.ones_like(pos) - pos
    one_hot_targets = jnp.stack([complimentary, pos], axis=-1)  # [B, d1, d2, d3, 2]
    one_hot_targets = one_hot_targets[..., 1:]                   # sigmoid branch
    one_hot_targets = jnp.transpose(one_hot_targets, (0, 4, 1, 2, 3))  # [B, 1, d1, d2, d3]

    loss_weight_float = general_cls_loss_mask_float[:, None, :, :, :]  # unsqueeze(1)
    mask_f = general_cls_loss_mask.astype(pred_occ_logit.dtype)[:, None, :, :, :]

    # mean_masked_loss: gather at mask.nonzero() then weighted mean ==
    # mask-weighted sum over all voxels / clamp(sum of selected weights, 1.0)
    loss = _sigmoid_focal_loss(pred_occ_logit, one_hot_targets)
    num = jnp.sum(loss * loss_weight_float * mask_f)
    den = jnp.maximum(jnp.sum(loss_weight_float * mask_f), 1.0)
    cls_loss = (num / den) * OCC_FORE_CLS_WEIGHT
    return cls_loss

if __name__ == "__main__":
    import jax
    _d = setup_inputs()
    print(jax.jit(kernel)(*tuple(_d.values())))

</pallas_src>

<mosaic_0001>
#map = affine_map<(d0, d1) -> (0, 0)>
module attributes {stable_mosaic.version = 14 : i64} {
  func.func @_sc_body(%arg0: i32, %arg1: i32, %arg2: memref<40960x512xf32, #tpu.memory_space<hbm>>, %arg3: memref<40960x512xf32, #tpu.memory_space<hbm>>, %arg4: memref<2560x128xi32, #tpu.memory_space<hbm>>, %arg5: memref<64x16xf32, #tpu.memory_space<hbm>>, %arg6: memref<16x512xf32, #tpu.memory_space<vmem>>, %arg7: memref<16x512xf32, #tpu.memory_space<vmem>>, %arg8: memref<16x128xi32, #tpu.memory_space<vmem>>, %arg9: memref<2x16xf32, #tpu.memory_space<vmem>>) attributes {dimension_semantics = [#tpu.dimension_semantics<core_parallel>, #tpu.dimension_semantics<subcore_parallel>], iteration_bounds = array<i64: 2, 16>, scalar_prefetch = 0 : i64, scratch_operands = 4 : i64, tpu.core_type = #tpu.core_type<sc_vector_subcore>, window_params = [{transform_indices = #map}, {transform_indices = #map}, {transform_indices = #map}, {transform_indices = #map}]} {
    %mul3A = arith.constant 2 : i32
    %mul3A_0 = arith.muli %arg1, %mul3A : i32
    %add3A = arith.addi %mul3A_0, %arg0 : i32
    %mul3A_1 = arith.constant 80 : i32
    %mul3A_2 = arith.muli %add3A, %mul3A_1 : i32
    %add3A_3 = arith.constant 38400 : i32
    %add3A_4 = arith.addi %add3A_3, %mul3A_2 : i32
    %mul3A_5 = arith.constant 80 : i32
    %mul3A_6 = arith.muli %add3A, %mul3A_5 : i32
    %iota3A = tpu.iota {dimensions = array<i32: 0>} : vector<16xi32>
    %shift_right_logical3A = arith.constant 2 : i32
    %shift_right_logical3A_7 = vector.broadcast %shift_right_logical3A : i32 to vector<16xi32>
    %shift_right_logical3A_8 = arith.shrui %iota3A, %shift_right_logical3A_7 : vector<16xi32>
    %and3A = arith.constant 3 : i32
    %and3A_9 = vector.broadcast %and3A : i32 to vector<16xi32>
    %and3A_10 = arith.andi %iota3A, %and3A_9 : vector<16xi32>
    %mul3A_11 = arith.constant 8 : i32
    %mul3A_12 = vector.broadcast %mul3A_11 : i32 to vector<16xi32>
    %mul3A_13 = arith.muli %and3A_10, %mul3A_12 : vector<16xi32>
    %broadcast_in_dim3A = arith.constant 0.000000e+00 : f32
    %broadcast_in_dim3A_14 = vector.broadcast %broadcast_in_dim3A : f32 to vector<16xf32>
    %scan3A = arith.constant 0 : i32
    %scan3A_15 = arith.constant 5 : i32
    %scan3A_16 = arith.addi %scan3A, %scan3A_15 : i32
    %scan3A_17 = arith.constant 1 : i32
    %scan3A_18:2 = scf.for %scan3A_33 = %scan3A to %scan3A_16 step %scan3A_17 iter_args(%scan3A_34 = %broadcast_in_dim3A_14, %scan3A_35 = %broadcast_in_dim3A_14) -> (vector<16xf32>, vector<16xf32>)  : i32 {
      %mul3A_36 = arith.constant 16 : i32
      %mul3A_37 = arith.muli %scan3A_33, %mul3A_36 : i32
      %add3A_38 = arith.addi %add3A_4, %mul3A_37 : i32
      %multiple_of3A = tpu.assume_multiple %add3A_38, 16 : i32
      %mul3A_39 = arith.constant 16 : i32
      %mul3A_40 = arith.muli %scan3A_33, %mul3A_39 : i32
      %add3A_41 = arith.addi %mul3A_6, %mul3A_40 : i32
      %multiple_of3A_42 = tpu.assume_multiple %add3A_41, 16 : i32
      "tpu.region"() ({
        %run_scoped3A = tpu.sem_alloc : memref<!tpu.dma_semaphore, #tpu.memory_space<semaphore_mem>>
        %dma_start3A = arith.constant 0 : i32
        %dma_start3A_49 = tpu.memref_slice %arg2[%multiple_of3A, %dma_start3A] : memref<40960x512xf32, #tpu.memory_space<hbm>> -> memref<16x512xf32, #tpu.memory_space<hbm>>
        %dma_start3A_50 = arith.constant 0 : i32
        %dma_start3A_51 = tpu.memref_slice %arg2[%multiple_of3A, %dma_start3A_50] : memref<40960x512xf32, #tpu.memory_space<hbm>> -> memref<16x512xf32, #tpu.memory_space<hbm>>
        tpu.enqueue_dma source(%dma_start3A_51 : memref<16x512xf32, #tpu.memory_space<hbm>>) target(%arg6 : memref<16x512xf32, #tpu.memory_space<vmem>>) target_semaphore(%run_scoped3A : memref<!tpu.dma_semaphore, #tpu.memory_space<semaphore_mem>>)
        %dma_wait3A = arith.constant 0 : i32
        %dma_wait3A_52 = tpu.memref_slice %arg2[%multiple_of3A, %dma_wait3A] : memref<40960x512xf32, #tpu.memory_space<hbm>> -> memref<16x512xf32, #tpu.memory_space<hbm>>
        %dma_wait3A_53 = arith.constant 0 : i32
        %dma_wait3A_54 = tpu.memref_slice %arg2[%multiple_of3A, %dma_wait3A_53] : memref<40960x512xf32, #tpu.memory_space<hbm>> -> memref<16x512xf32, #tpu.memory_space<hbm>>
        tpu.wait_dma2 semaphore(%run_scoped3A : memref<!tpu.dma_semaphore, #tpu.memory_space<semaphore_mem>>) src(%dma_wait3A_54 : memref<16x512xf32, #tpu.memory_space<hbm>>) dst(%arg6 : memref<16x512xf32, #tpu.memory_space<vmem>>)
        tpu.yield
      }) : () -> ()
      "tpu.region"() ({
        %run_scoped3A = tpu.sem_alloc : memref<!tpu.dma_semaphore, #tpu.memory_space<semaphore_mem>>
        %dma_start3A = arith.constant 0 : i32
        %dma_start3A_49 = tpu.memref_slice %arg3[%multiple_of3A, %dma_start3A] : memref<40960x512xf32, #tpu.memory_space<hbm>> -> memref<16x512xf32, #tpu.memory_space<hbm>>
        %dma_start3A_50 = arith.constant 0 : i32
        %dma_start3A_51 = tpu.memref_slice %arg3[%multiple_of3A, %dma_start3A_50] : memref<40960x512xf32, #tpu.memory_space<hbm>> -> memref<16x512xf32, #tpu.memory_space<hbm>>
        tpu.enqueue_dma source(%dma_start3A_51 : memref<16x512xf32, #tpu.memory_space<hbm>>) target(%arg7 : memref<16x512xf32, #tpu.memory_space<vmem>>) target_semaphore(%run_scoped3A : memref<!tpu.dma_semaphore, #tpu.memory_space<semaphore_mem>>)
        %dma_wait3A = arith.constant 0 : i32
        %dma_wait3A_52 = tpu.memref_slice %arg3[%multiple_of3A, %dma_wait3A] : memref<40960x512xf32, #tpu.memory_space<hbm>> -> memref<16x512xf32, #tpu.memory_space<hbm>>
        %dma_wait3A_53 = arith.constant 0 : i32
        %dma_wait3A_54 = tpu.memref_slice %arg3[%multiple_of3A, %dma_wait3A_53] : memref<40960x512xf32, #tpu.memory_space<hbm>> -> memref<16x512xf32, #tpu.memory_space<hbm>>
        tpu.wait_dma2 semaphore(%run_scoped3A : memref<!tpu.dma_semaphore, #tpu.memory_space<semaphore_mem>>) src(%dma_wait3A_54 : memref<16x512xf32, #tpu.memory_space<hbm>>) dst(%arg7 : memref<16x512xf32, #tpu.memory_space<vmem>>)
        tpu.yield
      }) : () -> ()
      "tpu.region"() ({
        %run_scoped3A = tpu.sem_alloc : memref<!tpu.dma_semaphore, #tpu.memory_space<semaphore_mem>>
        %dma_start3A = arith.constant 0 : i32
        %dma_start3A_49 = tpu.memref_slice %arg4[%multiple_of3A_42, %dma_start3A] : memref<2560x128xi32, #tpu.memory_space<hbm>> -> memref<16x128xi32, #tpu.memory_space<hbm>>
        %dma_start3A_50 = arith.constant 0 : i32
        %dma_start3A_51 = tpu.memref_slice %arg4[%multiple_of3A_42, %dma_start3A_50] : memref<2560x128xi32, #tpu.memory_space<hbm>> -> memref<16x128xi32, #tpu.memory_space<hbm>>
        tpu.enqueue_dma source(%dma_start3A_51 : memref<16x128xi32, #tpu.memory_space<hbm>>) target(%arg8 : memref<16x128xi32, #tpu.memory_space<vmem>>) target_semaphore(%run_scoped3A : memref<!tpu.dma_semaphore, #tpu.memory_space<semaphore_mem>>)
        %dma_wait3A = arith.constant 0 : i32
        %dma_wait3A_52 = tpu.memref_slice %arg4[%multiple_of3A_42, %dma_wait3A] : memref<2560x128xi32, #tpu.memory_space<hbm>> -> memref<16x128xi32, #tpu.memory_space<hbm>>
        %dma_wait3A_53 = arith.constant 0 : i32
        %dma_wait3A_54 = tpu.memref_slice %arg4[%multiple_of3A_42, %dma_wait3A_53] : memref<2560x128xi32, #tpu.memory_space<hbm>> -> memref<16x128xi32, #tpu.memory_space<hbm>>
        tpu.wait_dma2 semaphore(%run_scoped3A : memref<!tpu.dma_semaphore, #tpu.memory_space<semaphore_mem>>) src(%dma_wait3A_54 : memref<16x128xi32, #tpu.memory_space<hbm>>) dst(%arg8 : memref<16x128xi32, #tpu.memory_space<vmem>>)
        tpu.yield
      }) : () -> ()
      %scan3A_43 = arith.constant 0 : i32
      %scan3A_44 = arith.constant 16 : i32
      %scan3A_45 = arith.addi %scan3A_43, %scan3A_44 : i32
      %scan3A_46 = arith.constant 1 : i32
      %scan3A_47:2 = scf.for %scan3A_49 = %scan3A_43 to %scan3A_45 step %scan3A_46 iter_args(%scan3A_50 = %scan3A_34, %scan3A_51 = %scan3A_35) -> (vector<16xf32>, vector<16xf32>)  : i32 {
        %scan3A_52 = arith.constant 0 : i32
        %scan3A_53 = arith.constant 32 : i32
        %scan3A_54 = arith.addi %scan3A_52, %scan3A_53 : i32
        %scan3A_55 = arith.constant 1 : i32
        %scan3A_56:2 = scf.for %scan3A_58 = %scan3A_52 to %scan3A_54 step %scan3A_55 iter_args(%scan3A_59 = %scan3A_50, %scan3A_60 = %scan3A_51) -> (vector<16xf32>, vector<16xf32>)  : i32 {
          %mul3A_61 = arith.constant 4 : i32
          %mul3A_62 = arith.muli %mul3A_61, %scan3A_58 : i32
          %min3A = arith.constant 112 : i32
          %min3A_63 = arith.minsi %mul3A_62, %min3A : i32
          %mul3A_64 = arith.constant 4 : i32
          %mul3A_65 = arith.muli %mul3A_64, %scan3A_58 : i32
          %sub3A = arith.subi %mul3A_65, %min3A_63 : i32
          %get3A = arith.index_cast %scan3A_49 : i32 to index
          %get3A_66 = arith.index_cast %min3A_63 : i32 to index
          %get3A_67 = tpu.vector_load %arg8[%get3A, %get3A_66] {strides = array<i32>} : memref<16x128xi32, #tpu.memory_space<vmem>>, vector<1x16xi32>,
          %get3A_68 = vector.shape_cast %get3A_67 : vector<1x16xi32> to vector<16xi32>
          %add3A_69 = vector.broadcast %sub3A : i32 to vector<16xi32>
          %add3A_70 = arith.addi %add3A_69, %shift_right_logical3A_8 : vector<16xi32>
          %broadcast_in_dim3A_71 = vector.shape_cast %add3A_70 : vector<16xi32> to vector<16x1xi32>
          %gather3A = vector.shape_cast %broadcast_in_dim3A_71 : vector<16x1xi32> to vector<16xi32>
          %gather3A_72 = tpu.dynamic_gather %get3A_68[%gather3A] in [0] : vector<16xi32>, vector<16xi32> -> vector<16xi32>
          %shift_right_logical3A_73 = arith.shrui %gather3A_72, %mul3A_13 : vector<16xi32>
          %and3A_74 = arith.constant 255 : i32
          %and3A_75 = vector.broadcast %and3A_74 : i32 to vector<16xi32>
          %and3A_76 = arith.andi %shift_right_logical3A_73, %and3A_75 : vector<16xi32>
          %and3A_77 = arith.constant 15 : i32
          %and3A_78 = vector.broadcast %and3A_77 : i32 to vector<16xi32>
          %and3A_79 = arith.andi %and3A_76, %and3A_78 : vector<16xi32>
          %shift_right_logical3A_80 = arith.constant 4 : i32
          %shift_right_logical3A_81 = vector.broadcast %shift_right_logical3A_80 : i32 to vector<16xi32>
          %shift_right_logical3A_82 = arith.shrui %and3A_76, %shift_right_logical3A_81 : vector<16xi32>
          %mul3A_83 = arith.constant 16 : i32
          %mul3A_84 = arith.muli %scan3A_58, %mul3A_83 : i32
          %get3A_85 = arith.index_cast %scan3A_49 : i32 to index
          %get3A_86 = arith.index_cast %mul3A_84 : i32 to index
          %get3A_87 = tpu.vector_load %arg6[%get3A_85, %get3A_86] {strides = array<i32>} : memref<16x512xf32, #tpu.memory_space<vmem>>, vector<1x16xf32>,
          %get3A_88 = vector.shape_cast %get3A_87 : vector<1x16xf32> to vector<16xf32>
          %mul3A_89 = arith.constant 16 : i32
          %mul3A_90 = arith.muli %scan3A_58, %mul3A_89 : i32
          %get3A_91 = arith.index_cast %scan3A_49 : i32 to index
          %get3A_92 = arith.index_cast %mul3A_90 : i32 to index
          %get3A_93 = tpu.vector_load %arg7[%get3A_91, %get3A_92] {strides = array<i32>} : memref<16x512xf32, #tpu.memory_space<vmem>>, vector<1x16xf32>,
          %get3A_94 = vector.shape_cast %get3A_93 : vector<1x16xf32> to vector<16xf32>
          %ne3A = arith.constant 0 : i32
          %ne3A_95 = vector.broadcast %ne3A : i32 to vector<16xi32>
          %ne3A_96 = arith.cmpi ne, %and3A_79, %ne3A_95 : vector<16xi32>
          %ne3A_97 = arith.constant 0 : i32
          %ne3A_98 = vector.broadcast %ne3A_97 : i32 to vector<16xi32>
          %ne3A_99 = arith.cmpi ne, %shift_right_logical3A_82, %ne3A_98 : vector<16xi32>
          %jit3A = arith.constant 0.000000e+00 : f32
          %broadcast_in_dim3A_100 = vector.broadcast %jit3A : f32 to vector<16xf32>
          %select_n3A = arith.select %ne3A_99, %get3A_94, %broadcast_in_dim3A_100 : vector<16xi1>, vector<16xf32>
          %neg3A = arith.constant 0.000000e+00 : f32
          %neg3A_101 = vector.broadcast %neg3A : f32 to vector<16xf32>
          %neg3A_102 = arith.subf %neg3A_101, %get3A_88 : vector<16xf32>
          %select_n3A_103 = arith.select %ne3A_96, %neg3A_102, %get3A_88 : vector<16xi1>, vector<16xf32>
          %abs3A = math.absf %get3A_88 : vector<16xf32>
          %neg3A_104 = arith.constant 0.000000e+00 : f32
          %neg3A_105 = vector.broadcast %neg3A_104 : f32 to vector<16xf32>
          %neg3A_106 = arith.subf %neg3A_105, %abs3A : vector<16xf32>
          %exp3A = math.exp %neg3A_106 : vector<16xf32>
          %add3A_107 = arith.constant 1.000000e+00 : f32
          %add3A_108 = vector.broadcast %add3A_107 : f32 to vector<16xf32>
          %add3A_109 = arith.addf %add3A_108, %exp3A : vector<16xf32>
          %div3A = arith.constant 1.000000e+00 : f32
          %div3A_110 = vector.broadcast %div3A : f32 to vector<16xf32>
          %div3A_111 = arith.divf %div3A_110, %add3A_109 : vector<16xf32>
          %ge3A = arith.constant 0.000000e+00 : f32
          %ge3A_112 = vector.broadcast %ge3A : f32 to vector<16xf32>
          %ge3A_113 = arith.cmpf oge, %select_n3A_103, %ge3A_112 : vector<16xf32>
          %sub3A_114 = arith.constant 1.000000e+00 : f32
          %sub3A_115 = vector.broadcast %sub3A_114 : f32 to vector<16xf32>
          %sub3A_116 = arith.subf %sub3A_115, %div3A_111 : vector<16xf32>
          %select_n3A_117 = arith.select %ge3A_113, %div3A_111, %sub3A_116 : vector<16xi1>, vector<16xf32>
          %max3A = arith.constant 0.000000e+00 : f32
          %max3A_118 = vector.broadcast %max3A : f32 to vector<16xf32>
          %max3A_119 = arith.maximumf %select_n3A_103, %max3A_118 : vector<16xf32>
          %broadcast_in_dim3A_120 = arith.constant -0.017414175 : f32
          %broadcast_in_dim3A_121 = vector.broadcast %broadcast_in_dim3A_120 : f32 to vector<16xf32>
          %mul3A_122 = arith.mulf %broadcast_in_dim3A_121, %exp3A : vector<16xf32>
          %add3A_123 = arith.constant 0.0826916992 : f32
          %add3A_124 = vector.broadcast %add3A_123 : f32 to vector<16xf32>
          %add3A_125 = arith.addf %mul3A_122, %add3A_124 : vector<16xf32>
          %mul3A_126 = arith.mulf %add3A_125, %exp3A : vector<16xf32>
          %add3A_127 = arith.constant -0.190355077 : f32
          %add3A_128 = vector.broadcast %add3A_127 : f32 to vector<16xf32>
          %add3A_129 = arith.addf %mul3A_126, %add3A_128 : vector<16xf32>
          %mul3A_130 = arith.mulf %add3A_129, %exp3A : vector<16xf32>
          %add3A_131 = arith.constant 0.315747857 : f32
          %add3A_132 = vector.broadcast %add3A_131 : f32 to vector<16xf32>
          %add3A_133 = arith.addf %mul3A_130, %add3A_132 : vector<16xf32>
          %mul3A_134 = arith.mulf %add3A_133, %exp3A : vector<16xf32>
          %add3A_135 = arith.constant -0.497373402 : f32
          %add3A_136 = vector.broadcast %add3A_135 : f32 to vector<16xf32>
          %add3A_137 = arith.addf %mul3A_134, %add3A_136 : vector<16xf32>
          %mul3A_138 = arith.mulf %add3A_137, %exp3A : vector<16xf32>
          %add3A_139 = arith.constant 0.99984771 : f32
          %add3A_140 = vector.broadcast %add3A_139 : f32 to vector<16xf32>
          %add3A_141 = arith.addf %mul3A_138, %add3A_140 : vector<16xf32>
          %mul3A_142 = arith.mulf %add3A_141, %exp3A : vector<16xf32>
          %add3A_143 = arith.constant 1.47093783E-6 : f32
          %add3A_144 = vector.broadcast %add3A_143 : f32 to vector<16xf32>
          %add3A_145 = arith.addf %mul3A_142, %add3A_144 : vector<16xf32>
          %add3A_146 = arith.addf %max3A_119, %add3A_145 : vector<16xf32>
          %jit3A_147 = arith.constant 2.500000e-01 : f32
          %jit3A_148 = arith.constant 7.500000e-01 : f32
          %broadcast_in_dim3A_149 = vector.broadcast %jit3A_147 : f32 to vector<16xf32>
          %broadcast_in_dim3A_150 = vector.broadcast %jit3A_148 : f32 to vector<16xf32>
          %select_n3A_151 = arith.select %ne3A_96, %broadcast_in_dim3A_149, %broadcast_in_dim3A_150 : vector<16xi1>, vector<16xf32>
          %mul3A_152 = arith.mulf %select_n3A_151, %select_n3A : vector<16xf32>
          %mul3A_153 = arith.mulf %select_n3A_117, %select_n3A_117 : vector<16xf32>
          %mul3A_154 = arith.mulf %mul3A_152, %mul3A_153 : vector<16xf32>
          %mul3A_155 = arith.mulf %mul3A_154, %add3A_146 : vector<16xf32>
          %add3A_156 = arith.addf %scan3A_59, %mul3A_155 : vector<16xf32>
          %add3A_157 = arith.addf %scan3A_60, %select_n3A : vector<16xf32>
          scf.yield %add3A_156, %add3A_157 : vector<16xf32>, vector<16xf32>
        }
        %scan3A_57 = arith.constant 32 : i32
        scf.yield %scan3A_56#0, %scan3A_56#1 : vector<16xf32>, vector<16xf32>
      }
      %scan3A_48 = arith.constant 16 : i32
      scf.yield %scan3A_47#0, %scan3A_47#1 : vector<16xf32>, vector<16xf32>
    }
    %scan3A_19 = arith.constant 5 : i32
    %swap3A = arith.constant 0 : i32
    %swap3A_20 = arith.index_cast %swap3A : i32 to index
    %swap3A_21 = arith.constant 0 : index
    %swap3A_22 = tpu.vector_load %arg9[%swap3A_20, %swap3A_21] {strides = array<i32>} : memref<2x16xf32, #tpu.memory_space<vmem>>, vector<1x16xf32>,
    %swap3A_23 = vector.shape_cast %swap3A_22 : vector<1x16xf32> to vector<16xf32>
    %swap3A_24 = vector.shape_cast %scan3A_18#0 : vector<16xf32> to vector<1x16xf32>
    tpu.vector_store %arg9[%swap3A_20, %swap3A_21], %swap3A_24 {strides = array<i32>} : memref<2x16xf32, #tpu.memory_space<vmem>>, vector<1x16xf32>,
    %swap3A_25 = arith.constant 1 : i32
    %swap3A_26 = arith.index_cast %swap3A_25 : i32 to index
    %swap3A_27 = arith.constant 0 : index
    %swap3A_28 = tpu.vector_load %arg9[%swap3A_26, %swap3A_27] {strides = array<i32>} : memref<2x16xf32, #tpu.memory_space<vmem>>, vector<1x16xf32>,
    %swap3A_29 = vector.shape_cast %swap3A_28 : vector<1x16xf32> to vector<16xf32>
    %swap3A_30 = vector.shape_cast %scan3A_18#1 : vector<16xf32> to vector<1x16xf32>
    tpu.vector_store %arg9[%swap3A_26, %swap3A_27], %swap3A_30 {strides = array<i32>} : memref<2x16xf32, #tpu.memory_space<vmem>>, vector<1x16xf32>,
    %mul3A_31 = arith.constant 2 : i32
    %mul3A_32 = arith.muli %add3A, %mul3A_31 : i32
    "tpu.region"() ({
      %run_scoped3A = tpu.sem_alloc : memref<!tpu.dma_semaphore, #tpu.memory_space<semaphore_mem>>
      %dma_start3A = arith.constant 0 : i32
      %dma_start3A_33 = tpu.memref_slice %arg5[%mul3A_32, %dma_start3A] : memref<64x16xf32, #tpu.memory_space<hbm>> -> memref<2x16xf32, #tpu.memory_space<hbm>>
      %dma_start3A_34 = arith.constant 0 : i32
      %dma_start3A_35 = tpu.memref_slice %arg5[%mul3A_32, %dma_start3A_34] : memref<64x16xf32, #tpu.memory_space<hbm>> -> memref<2x16xf32, #tpu.memory_space<hbm>>
      tpu.enqueue_dma source(%arg9 : memref<2x16xf32, #tpu.memory_space<vmem>>) target(%dma_start3A_35 : memref<2x16xf32, #tpu.memory_space<hbm>>) target_semaphore(%run_scoped3A : memref<!tpu.dma_semaphore, #tpu.memory_space<semaphore_mem>>)
      %dma_wait3A = arith.constant 0 : i32
      %dma_wait3A_36 = tpu.memref_slice %arg5[%mul3A_32, %dma_wait3A] : memref<64x16xf32, #tpu.memory_space<hbm>> -> memref<2x16xf32, #tpu.memory_space<hbm>>
      %dma_wait3A_37 = arith.constant 0 : i32
      %dma_wait3A_38 = tpu.memref_slice %arg5[%mul3A_32, %dma_wait3A_37] : memref<64x16xf32, #tpu.memory_space<hbm>> -> memref<2x16xf32, #tpu.memory_space<hbm>>
      tpu.wait_dma2 semaphore(%run_scoped3A : memref<!tpu.dma_semaphore, #tpu.memory_space<semaphore_mem>>) src(%arg9 : memref<2x16xf32, #tpu.memory_space<vmem>>) dst(%dma_wait3A_38 : memref<2x16xf32, #tpu.memory_space<hbm>>)
      tpu.yield
    }) : () -> ()
    return
  }
}

module attributes {stable_mosaic.version = 14 : i64} {
  func.func @_focal_block_kernel(%arg0: i32, %arg1: memref<1920x512xf32, #tpu.memory_space<vmem>>, %arg2: memref<1920x512xf32, #tpu.memory_space<vmem>>, %arg3: memref<1920x512xi8, #tpu.memory_space<vmem>>, %arg4: memref<1x2xf32, #tpu.memory_space<smem>>, %arg5: memref<8x512xf32, #tpu.memory_space<vmem>>, %arg6: memref<8x512xf32, #tpu.memory_space<vmem>>) attributes {dimension_semantics = [#tpu.dimension_semantics<arbitrary>], iteration_bounds = array<i64: 20>, scalar_prefetch = 0 : i64, scratch_operands = 2 : i64, tpu.core_type = #tpu.core_type<tc>, window_params = [{transform_indices = @transform_0, window_bounds = array<i64: 1920, 512>}, {transform_indices = @transform_1, window_bounds = array<i64: 1920, 512>}, {transform_indices = @transform_2, window_bounds = array<i64: 1920, 512>}, {transform_indices = @transform_3, window_bounds = array<i64: 1, 2>}]} {
    %eq3A = arith.constant 0 : i32
    %eq3A_0 = arith.cmpi eq, %arg0, %eq3A : i32
    %convert_element_type3A = arith.extui %eq3A_0 : i1 to i32
    %cond3A = arith.constant 0 : i32
    %cond3A_1 = arith.cmpi ne, %convert_element_type3A, %cond3A : i32
    scf.if %cond3A_1 {
      %broadcast_in_dim3A_24 = arith.constant 0.000000e+00 : f32
      %broadcast_in_dim3A_25 = vector.broadcast %broadcast_in_dim3A_24 : f32 to vector<8x512xf32>
      %swap3A_26 = arith.constant 0 : index
      %swap3A_27 = arith.constant 0 : index
      %swap3A_28 = vector.load %arg5[%swap3A_26, %swap3A_27] : memref<8x512xf32, #tpu.memory_space<vmem>>, vector<8x512xf32>
      tpu.vector_store %arg5[%swap3A_26, %swap3A_27], %broadcast_in_dim3A_25 {strides = array<i32>} : memref<8x512xf32, #tpu.memory_space<vmem>>, vector<8x512xf32>,
      %broadcast_in_dim3A_29 = arith.constant 0.000000e+00 : f32
      %broadcast_in_dim3A_30 = vector.broadcast %broadcast_in_dim3A_29 : f32 to vector<8x512xf32>
      %swap3A_31 = arith.constant 0 : index
      %swap3A_32 = arith.constant 0 : index
      %swap3A_33 = vector.load %arg6[%swap3A_31, %swap3A_32] : memref<8x512xf32, #tpu.memory_space<vmem>>, vector<8x512xf32>
      tpu.vector_store %arg6[%swap3A_31, %swap3A_32], %broadcast_in_dim3A_30 {strides = array<i32>} : memref<8x512xf32, #tpu.memory_space<vmem>>, vector<8x512xf32>,
    } else {
    }
    %broadcast_in_dim3A = arith.constant 0.000000e+00 : f32
    %broadcast_in_dim3A_2 = vector.broadcast %broadcast_in_dim3A : f32 to vector<8x512xf32>
    %scan3A = arith.constant 0 : i32
    %scan3A_3 = arith.constant 240 : i32
    %scan3A_4 = arith.addi %scan3A, %scan3A_3 : i32
    %scan3A_5 = arith.constant 8 : i32
    %scan3A_6:2 = scf.for %scan3A_24 = %scan3A to %scan3A_4 step %scan3A_5 iter_args(%scan3A_25 = %broadcast_in_dim3A_2, %scan3A_26 = %broadcast_in_dim3A_2) -> (vector<8x512xf32>, vector<8x512xf32>)  : i32 {
      %mul3A = arith.constant 8 : i32
      %mul3A_27 = arith.muli %scan3A_24, %mul3A : i32
      %get3A_28 = arith.index_cast %mul3A_27 : i32 to index
      %get3A_29 = arith.constant 0 : index
      %get3A_30 = vector.load %arg1[%get3A_28, %get3A_29] : memref<1920x512xf32, #tpu.memory_space<vmem>>, vector<8x512xf32>
      %mul3A_31 = arith.constant 8 : i32
      %mul3A_32 = arith.muli %scan3A_24, %mul3A_31 : i32
      %get3A_33 = arith.index_cast %mul3A_32 : i32 to index
      %get3A_34 = arith.constant 0 : index
      %get3A_35 = vector.load %arg3[%get3A_33, %get3A_34] : memref<1920x512xi8, #tpu.memory_space<vmem>>, vector<8x512xi8>
      %convert_element_type3A_36 = arith.extsi %get3A_35 : vector<8x512xi8> to vector<8x512xi32>
      %and3A = arith.constant 1 : i32
      %and3A_37 = vector.broadcast %and3A : i32 to vector<8x512xi32>
      %and3A_38 = arith.andi %convert_element_type3A_36, %and3A_37 : vector<8x512xi32>
      %gt3A = arith.constant 0 : i32
      %gt3A_39 = vector.broadcast %gt3A : i32 to vector<8x512xi32>
      %gt3A_40 = arith.cmpi sgt, %and3A_38, %gt3A_39 : vector<8x512xi32>
      %mul3A_41 = arith.constant 8 : i32
      %mul3A_42 = arith.muli %scan3A_24, %mul3A_41 : i32
      %get3A_43 = arith.index_cast %mul3A_42 : i32 to index
      %get3A_44 = arith.constant 0 : index
      %get3A_45 = vector.load %arg2[%get3A_43, %get3A_44] : memref<1920x512xf32, #tpu.memory_space<vmem>>, vector<8x512xf32>
      %shift_right_arithmetic3A = arith.constant 4 : i32
      %shift_right_arithmetic3A_46 = vector.broadcast %shift_right_arithmetic3A : i32 to vector<8x512xi32>
      %shift_right_arithmetic3A_47 = arith.shrsi %convert_element_type3A_36, %shift_right_arithmetic3A_46 : vector<8x512xi32>
      %convert_element_type3A_48 = arith.sitofp %shift_right_arithmetic3A_47 : vector<8x512xi32> to vector<8x512xf32>
      %mul3A_49 = arith.mulf %get3A_45, %convert_element_type3A_48 : vector<8x512xf32>
      %neg3A = arith.constant 0.000000e+00 : f32
      %neg3A_50 = vector.broadcast %neg3A : f32 to vector<8x512xf32>
      %neg3A_51 = arith.subf %neg3A_50, %get3A_30 : vector<8x512xf32>
      %select_n3A = arith.select %gt3A_40, %neg3A_51, %get3A_30 : vector<8x512xi1>, vector<8x512xf32>
      %abs3A = math.absf %get3A_30 : vector<8x512xf32>
      %neg3A_52 = arith.constant 0.000000e+00 : f32
      %neg3A_53 = vector.broadcast %neg3A_52 : f32 to vector<8x512xf32>
      %neg3A_54 = arith.subf %neg3A_53, %abs3A : vector<8x512xf32>
      %exp3A = math.exp %neg3A_54 : vector<8x512xf32>
      %add3A_55 = arith.constant 1.000000e+00 : f32
      %add3A_56 = vector.broadcast %add3A_55 : f32 to vector<8x512xf32>
      %add3A_57 = arith.addf %add3A_56, %exp3A : vector<8x512xf32>
      %div3A = arith.constant 1.000000e+00 : f32
      %div3A_58 = vector.broadcast %div3A : f32 to vector<8x512xf32>
      %div3A_59 = arith.divf %div3A_58, %add3A_57 : vector<8x512xf32>
      %ge3A = arith.constant 0.000000e+00 : f32
      %ge3A_60 = vector.broadcast %ge3A : f32 to vector<8x512xf32>
      %ge3A_61 = arith.cmpf oge, %select_n3A, %ge3A_60 : vector<8x512xf32>
      %sub3A = arith.constant 1.000000e+00 : f32
      %sub3A_62 = vector.broadcast %sub3A : f32 to vector<8x512xf32>
      %sub3A_63 = arith.subf %sub3A_62, %div3A_59 : vector<8x512xf32>
      %select_n3A_64 = arith.select %ge3A_61, %div3A_59, %sub3A_63 : vector<8x512xi1>, vector<8x512xf32>
      %max3A = arith.constant 0.000000e+00 : f32
      %max3A_65 = vector.broadcast %max3A : f32 to vector<8x512xf32>
      %max3A_66 = arith.maximumf %select_n3A, %max3A_65 : vector<8x512xf32>
      %log3A = math.log %add3A_57 : vector<8x512xf32>
      %add3A_67 = arith.addf %max3A_66, %log3A : vector<8x512xf32>
      %jit3A = arith.constant 2.500000e-01 : f32
      %jit3A_68 = arith.constant 7.500000e-01 : f32
      %broadcast_in_dim3A_69 = vector.broadcast %jit3A : f32 to vector<8x512xf32>
      %broadcast_in_dim3A_70 = vector.broadcast %jit3A_68 : f32 to vector<8x512xf32>
      %select_n3A_71 = arith.select %gt3A_40, %broadcast_in_dim3A_69, %broadcast_in_dim3A_70 : vector<8x512xi1>, vector<8x512xf32>
      %mul3A_72 = arith.mulf %select_n3A_71, %mul3A_49 : vector<8x512xf32>
      %mul3A_73 = arith.mulf %select_n3A_64, %select_n3A_64 : vector<8x512xf32>
      %mul3A_74 = arith.mulf %mul3A_72, %mul3A_73 : vector<8x512xf32>
      %mul3A_75 = arith.mulf %mul3A_74, %add3A_67 : vector<8x512xf32>
      %add3A_76 = arith.addf %scan3A_25, %mul3A_75 : vector<8x512xf32>
      %add3A_77 = arith.addf %scan3A_26, %mul3A_49 : vector<8x512xf32>
      %scan3A_78 = arith.constant 1 : i32
      %scan3A_79 = arith.addi %scan3A_24, %scan3A_78 : i32
      %mul3A_80 = arith.constant 8 : i32
      %mul3A_81 = arith.muli %scan3A_79, %mul3A_80 : i32
      %get3A_82 = arith.index_cast %mul3A_81 : i32 to index
      %get3A_83 = arith.constant 0 : index
      %get3A_84 = vector.load %arg1[%get3A_82, %get3A_83] : memref<1920x512xf32, #tpu.memory_space<vmem>>, vector<8x512xf32>
      %mul3A_85 = arith.constant 8 : i32
      %mul3A_86 = arith.muli %scan3A_79, %mul3A_85 : i32
      %get3A_87 = arith.index_cast %mul3A_86 : i32 to index
      %get3A_88 = arith.constant 0 : index
      %get3A_89 = vector.load %arg3[%get3A_87, %get3A_88] : memref<1920x512xi8, #tpu.memory_space<vmem>>, vector<8x512xi8>
      %convert_element_type3A_90 = arith.extsi %get3A_89 : vector<8x512xi8> to vector<8x512xi32>
      %and3A_91 = arith.constant 1 : i32
      %and3A_92 = vector.broadcast %and3A_91 : i32 to vector<8x512xi32>
      %and3A_93 = arith.andi %convert_element_type3A_90, %and3A_92 : vector<8x512xi32>
      %gt3A_94 = arith.constant 0 : i32
      %gt3A_95 = vector.broadcast %gt3A_94 : i32 to vector<8x512xi32>
      %gt3A_96 = arith.cmpi sgt, %and3A_93, %gt3A_95 : vector<8x512xi32>
      %mul3A_97 = arith.constant 8 : i32
      %mul3A_98 = arith.muli %scan3A_79, %mul3A_97 : i32
      %get3A_99 = arith.index_cast %mul3A_98 : i32 to index
      %get3A_100 = arith.constant 0 : index
      %get3A_101 = vector.load %arg2[%get3A_99, %get3A_100] : memref<1920x512xf32, #tpu.memory_space<vmem>>, vector<8x512xf32>
      %shift_right_arithmetic3A_102 = arith.constant 4 : i32
      %shift_right_arithmetic3A_103 = vector.broadcast %shift_right_arithmetic3A_102 : i32 to vector<8x512xi32>
      %shift_right_arithmetic3A_104 = arith.shrsi %convert_element_type3A_90, %shift_right_arithmetic3A_103 : vector<8x512xi32>
      %convert_element_type3A_105 = arith.sitofp %shift_right_arithmetic3A_104 : vector<8x512xi32> to vector<8x512xf32>
      %mul3A_106 = arith.mulf %get3A_101, %convert_element_type3A_105 : vector<8x512xf32>
      %neg3A_107 = arith.constant 0.000000e+00 : f32
      %neg3A_108 = vector.broadcast %neg3A_107 : f32 to vector<8x512xf32>
      %neg3A_109 = arith.subf %neg3A_108, %get3A_84 : vector<8x512xf32>
      %select_n3A_110 = arith.select %gt3A_96, %neg3A_109, %get3A_84 : vector<8x512xi1>, vector<8x512xf32>
      %abs3A_111 = math.absf %get3A_84 : vector<8x512xf32>
      %neg3A_112 = arith.constant 0.000000e+00 : f32
      %neg3A_113 = vector.broadcast %neg3A_112 : f32 to vector<8x512xf32>
      %neg3A_114 = arith.subf %neg3A_113, %abs3A_111 : vector<8x512xf32>
      %exp3A_115 = math.exp %neg3A_114 : vector<8x512xf32>
      %add3A_116 = arith.constant 1.000000e+00 : f32
      %add3A_117 = vector.broadcast %add3A_116 : f32 to vector<8x512xf32>
      %add3A_118 = arith.addf %add3A_117, %exp3A_115 : vector<8x512xf32>
      %div3A_119 = arith.constant 1.000000e+00 : f32
      %div3A_120 = vector.broadcast %div3A_119 : f32 to vector<8x512xf32>
      %div3A_121 = arith.divf %div3A_120, %add3A_118 : vector<8x512xf32>
      %ge3A_122 = arith.constant 0.000000e+00 : f32
      %ge3A_123 = vector.broadcast %ge3A_122 : f32 to vector<8x512xf32>
      %ge3A_124 = arith.cmpf oge, %select_n3A_110, %ge3A_123 : vector<8x512xf32>
      %sub3A_125 = arith.constant 1.000000e+00 : f32
      %sub3A_126 = vector.broadcast %sub3A_125 : f32 to vector<8x512xf32>
      %sub3A_127 = arith.subf %sub3A_126, %div3A_121 : vector<8x512xf32>
      %select_n3A_128 = arith.select %ge3A_124, %div3A_121, %sub3A_127 : vector<8x512xi1>, vector<8x512xf32>
      %max3A_129 = arith.constant 0.000000e+00 : f32
      %max3A_130 = vector.broadcast %max3A_129 : f32 to vector<8x512xf32>
      %max3A_131 = arith.maximumf %select_n3A_110, %max3A_130 : vector<8x512xf32>
      %log3A_132 = math.log %add3A_118 : vector<8x512xf32>
      %add3A_133 = arith.addf %max3A_131, %log3A_132 : vector<8x512xf32>
      %jit3A_134 = arith.constant 2.500000e-01 : f32
      %jit3A_135 = arith.constant 7.500000e-01 : f32
      %broadcast_in_dim3A_136 = vector.broadcast %jit3A_134 : f32 to vector<8x512xf32>
      %broadcast_in_dim3A_137 = vector.broadcast %jit3A_135 : f32 to vector<8x512xf32>
      %select_n3A_138 = arith.select %gt3A_96, %broadcast_in_dim3A_136, %broadcast_in_dim3A_137 : vector<8x512xi1>, vector<8x512xf32>
      %mul3A_139 = arith.mulf %select_n3A_138, %mul3A_106 : vector<8x512xf32>
      %mul3A_140 = arith.mulf %select_n3A_128, %select_n3A_128 : vector<8x512xf32>
      %mul3A_141 = arith.mulf %mul3A_139, %mul3A_140 : vector<8x512xf32>
      %mul3A_142 = arith.mulf %mul3A_141, %add3A_133 : vector<8x512xf32>
      %add3A_143 = arith.addf %add3A_76, %mul3A_142 : vector<8x512xf32>
      %add3A_144 = arith.addf %add3A_77, %mul3A_106 : vector<8x512xf32>
      %scan3A_145 = arith.constant 2 : i32
      %scan3A_146 = arith.addi %scan3A_24, %scan3A_145 : i32
      %mul3A_147 = arith.constant 8 : i32
      %mul3A_148 = arith.muli %scan3A_146, %mul3A_147 : i32
      %get3A_149 = arith.index_cast %mul3A_148 : i32 to index
      %get3A_150 = arith.constant 0 : index
      %get3A_151 = vector.load %arg1[%get3A_149, %get3A_150] : memref<1920x512xf32, #tpu.memory_space<vmem>>, vector<8x512xf32>
      %mul3A_152 = arith.constant 8 : i32
      %mul3A_153 = arith.muli %scan3A_146, %mul3A_152 : i32
      %get3A_154 = arith.index_cast %mul3A_153 : i32 to index
      %get3A_155 = arith.constant 0 : index
      %get3A_156 = vector.load %arg3[%get3A_154, %get3A_155] : memref<1920x512xi8, #tpu.memory_space<vmem>>, vector<8x512xi8>
      %convert_element_type3A_157 = arith.extsi %get3A_156 : vector<8x512xi8> to vector<8x512xi32>
      %and3A_158 = arith.constant 1 : i32
      %and3A_159 = vector.broadcast %and3A_158 : i32 to vector<8x512xi32>
      %and3A_160 = arith.andi %convert_element_type3A_157, %and3A_159 : vector<8x512xi32>
      %gt3A_161 = arith.constant 0 : i32
      %gt3A_162 = vector.broadcast %gt3A_161 : i32 to vector<8x512xi32>
      %gt3A_163 = arith.cmpi sgt, %and3A_160, %gt3A_162 : vector<8x512xi32>
      %mul3A_164 = arith.constant 8 : i32
      %mul3A_165 = arith.muli %scan3A_146, %mul3A_164 : i32
      %get3A_166 = arith.index_cast %mul3A_165 : i32 to index
      %get3A_167 = arith.constant 0 : index
      %get3A_168 = vector.load %arg2[%get3A_166, %get3A_167] : memref<1920x512xf32, #tpu.memory_space<vmem>>, vector<8x512xf32>
      %shift_right_arithmetic3A_169 = arith.constant 4 : i32
      %shift_right_arithmetic3A_170 = vector.broadcast %shift_right_arithmetic3A_169 : i32 to vector<8x512xi32>
      %shift_right_arithmetic3A_171 = arith.shrsi %convert_element_type3A_157, %shift_right_arithmetic3A_170 : vector<8x512xi32>
      %convert_element_type3A_172 = arith.sitofp %shift_right_arithmetic3A_171 : vector<8x512xi32> to vector<8x512xf32>
      %mul3A_173 = arith.mulf %get3A_168, %convert_element_type3A_172 : vector<8x512xf32>
      %neg3A_174 = arith.constant 0.000000e+00 : f32
      %neg3A_175 = vector.broadcast %neg3A_174 : f32 to vector<8x512xf32>
      %neg3A_176 = arith.subf %neg3A_175, %get3A_151 : vector<8x512xf32>
      %select_n3A_177 = arith.select %gt3A_163, %neg3A_176, %get3A_151 : vector<8x512xi1>, vector<8x512xf32>
      %abs3A_178 = math.absf %get3A_151 : vector<8x512xf32>
      %neg3A_179 = arith.constant 0.000000e+00 : f32
      %neg3A_180 = vector.broadcast %neg3A_179 : f32 to vector<8x512xf32>
      %neg3A_181 = arith.subf %neg3A_180, %abs3A_178 : vector<8x512xf32>
      %exp3A_182 = math.exp %neg3A_181 : vector<8x512xf32>
      %add3A_183 = arith.constant 1.000000e+00 : f32
      %add3A_184 = vector.broadcast %add3A_183 : f32 to vector<8x512xf32>
      %add3A_185 = arith.addf %add3A_184, %exp3A_182 : vector<8x512xf32>
      %div3A_186 = arith.constant 1.000000e+00 : f32
      %div3A_187 = vector.broadcast %div3A_186 : f32 to vector<8x512xf32>
      %div3A_188 = arith.divf %div3A_187, %add3A_185 : vector<8x512xf32>
      %ge3A_189 = arith.constant 0.000000e+00 : f32
      %ge3A_190 = vector.broadcast %ge3A_189 : f32 to vector<8x512xf32>
      %ge3A_191 = arith.cmpf oge, %select_n3A_177, %ge3A_190 : vector<8x512xf32>
      %sub3A_192 = arith.constant 1.000000e+00 : f32
      %sub3A_193 = vector.broadcast %sub3A_192 : f32 to vector<8x512xf32>
      %sub3A_194 = arith.subf %sub3A_193, %div3A_188 : vector<8x512xf32>
      %select_n3A_195 = arith.select %ge3A_191, %div3A_188, %sub3A_194 : vector<8x512xi1>, vector<8x512xf32>
      %max3A_196 = arith.constant 0.000000e+00 : f32
      %max3A_197 = vector.broadcast %max3A_196 : f32 to vector<8x512xf32>
      %max3A_198 = arith.maximumf %select_n3A_177, %max3A_197 : vector<8x512xf32>
      %log3A_199 = math.log %add3A_185 : vector<8x512xf32>
      %add3A_200 = arith.addf %max3A_198, %log3A_199 : vector<8x512xf32>
      %jit3A_201 = arith.constant 2.500000e-01 : f32
      %jit3A_202 = arith.constant 7.500000e-01 : f32
      %broadcast_in_dim3A_203 = vector.broadcast %jit3A_201 : f32 to vector<8x512xf32>
      %broadcast_in_dim3A_204 = vector.broadcast %jit3A_202 : f32 to vector<8x512xf32>
      %select_n3A_205 = arith.select %gt3A_163, %broadcast_in_dim3A_203, %broadcast_in_dim3A_204 : vector<8x512xi1>, vector<8x512xf32>
      %mul3A_206 = arith.mulf %select_n3A_205, %mul3A_173 : vector<8x512xf32>
      %mul3A_207 = arith.mulf %select_n3A_195, %select_n3A_195 : vector<8x512xf32>
      %mul3A_208 = arith.mulf %mul3A_206, %mul3A_207 : vector<8x512xf32>
      %mul3A_209 = arith.mulf %mul3A_208, %add3A_200 : vector<8x512xf32>
      %add3A_210 = arith.addf %add3A_143, %mul3A_209 : vector<8x512xf32>
      %add3A_211 = arith.addf %add3A_144, %mul3A_173 : vector<8x512xf32>
      %scan3A_212 = arith.constant 3 : i32
      %scan3A_213 = arith.addi %scan3A_24, %scan3A_212 : i32
      %mul3A_214 = arith.constant 8 : i32
      %mul3A_215 = arith.muli %scan3A_213, %mul3A_214 : i32
      %get3A_216 = arith.index_cast %mul3A_215 : i32 to index
      %get3A_217 = arith.constant 0 : index
      %get3A_218 = vector.load %arg1[%get3A_216, %get3A_217] : memref<1920x512xf32, #tpu.memory_space<vmem>>, vector<8x512xf32>
      %mul3A_219 = arith.constant 8 : i32
      %mul3A_220 = arith.muli %scan3A_213, %mul3A_219 : i32
      %get3A_221 = arith.index_cast %mul3A_220 : i32 to index
      %get3A_222 = arith.constant 0 : index
      %get3A_223 = vector.load %arg3[%get3A_221, %get3A_222] : memref<1920x512xi8, #tpu.memory_space<vmem>>, vector<8x512xi8>
      %convert_element_type3A_224 = arith.extsi %get3A_223 : vector<8x512xi8> to vector<8x512xi32>
      %and3A_225 = arith.constant 1 : i32
      %and3A_226 = vector.broadcast %and3A_225 : i32 to vector<8x512xi32>
      %and3A_227 = arith.andi %convert_element_type3A_224, %and3A_226 : vector<8x512xi32>
      %gt3A_228 = arith.constant 0 : i32
      %gt3A_229 = vector.broadcast %gt3A_228 : i32 to vector<8x512xi32>
      %gt3A_230 = arith.cmpi sgt, %and3A_227, %gt3A_229 : vector<8x512xi32>
      %mul3A_231 = arith.constant 8 : i32
      %mul3A_232 = arith.muli %scan3A_213, %mul3A_231 : i32
      %get3A_233 = arith.index_cast %mul3A_232 : i32 to index
      %get3A_234 = arith.constant 0 : index
      %get3A_235 = vector.load %arg2[%get3A_233, %get3A_234] : memref<1920x512xf32, #tpu.memory_space<vmem>>, vector<8x512xf32>
      %shift_right_arithmetic3A_236 = arith.constant 4 : i32
      %shift_right_arithmetic3A_237 = vector.broadcast %shift_right_arithmetic3A_236 : i32 to vector<8x512xi32>
      %shift_right_arithmetic3A_238 = arith.shrsi %convert_element_type3A_224, %shift_right_arithmetic3A_237 : vector<8x512xi32>
      %convert_element_type3A_239 = arith.sitofp %shift_right_arithmetic3A_238 : vector<8x512xi32> to vector<8x512xf32>
      %mul3A_240 = arith.mulf %get3A_235, %convert_element_type3A_239 : vector<8x512xf32>
      %neg3A_241 = arith.constant 0.000000e+00 : f32
      %neg3A_242 = vector.broadcast %neg3A_241 : f32 to vector<8x512xf32>
      %neg3A_243 = arith.subf %neg3A_242, %get3A_218 : vector<8x512xf32>
      %select_n3A_244 = arith.select %gt3A_230, %neg3A_243, %get3A_218 : vector<8x512xi1>, vector<8x512xf32>
      %abs3A_245 = math.absf %get3A_218 : vector<8x512xf32>
      %neg3A_246 = arith.constant 0.000000e+00 : f32
      %neg3A_247 = vector.broadcast %neg3A_246 : f32 to vector<8x512xf32>
      %neg3A_248 = arith.subf %neg3A_247, %abs3A_245 : vector<8x512xf32>
      %exp3A_249 = math.exp %neg3A_248 : vector<8x512xf32>
      %add3A_250 = arith.constant 1.000000e+00 : f32
      %add3A_251 = vector.broadcast %add3A_250 : f32 to vector<8x512xf32>
      %add3A_252 = arith.addf %add3A_251, %exp3A_249 : vector<8x512xf32>
      %div3A_253 = arith.constant 1.000000e+00 : f32
      %div3A_254 = vector.broadcast %div3A_253 : f32 to vector<8x512xf32>
      %div3A_255 = arith.divf %div3A_254, %add3A_252 : vector<8x512xf32>
      %ge3A_256 = arith.constant 0.000000e+00 : f32
      %ge3A_257 = vector.broadcast %ge3A_256 : f32 to vector<8x512xf32>
      %ge3A_258 = arith.cmpf oge, %select_n3A_244, %ge3A_257 : vector<8x512xf32>
      %sub3A_259 = arith.constant 1.000000e+00 : f32
      %sub3A_260 = vector.broadcast %sub3A_259 : f32 to vector<8x512xf32>
      %sub3A_261 = arith.subf %sub3A_260, %div3A_255 : vector<8x512xf32>
      %select_n3A_262 = arith.select %ge3A_258, %div3A_255, %sub3A_261 : vector<8x512xi1>, vector<8x512xf32>
      %max3A_263 = arith.constant 0.000000e+00 : f32
      %max3A_264 = vector.broadcast %max3A_263 : f32 to vector<8x512xf32>
      %max3A_265 = arith.maximumf %select_n3A_244, %max3A_264 : vector<8x512xf32>
      %log3A_266 = math.log %add3A_252 : vector<8x512xf32>
      %add3A_267 = arith.addf %max3A_265, %log3A_266 : vector<8x512xf32>
      %jit3A_268 = arith.constant 2.500000e-01 : f32
      %jit3A_269 = arith.constant 7.500000e-01 : f32
      %broadcast_in_dim3A_270 = vector.broadcast %jit3A_268 : f32 to vector<8x512xf32>
      %broadcast_in_dim3A_271 = vector.broadcast %jit3A_269 : f32 to vector<8x512xf32>
      %select_n3A_272 = arith.select %gt3A_230, %broadcast_in_dim3A_270, %broadcast_in_dim3A_271 : vector<8x512xi1>, vector<8x512xf32>
      %mul3A_273 = arith.mulf %select_n3A_272, %mul3A_240 : vector<8x512xf32>
      %mul3A_274 = arith.mulf %select_n3A_262, %select_n3A_262 : vector<8x512xf32>
      %mul3A_275 = arith.mulf %mul3A_273, %mul3A_274 : vector<8x512xf32>
      %mul3A_276 = arith.mulf %mul3A_275, %add3A_267 : vector<8x512xf32>
      %add3A_277 = arith.addf %add3A_210, %mul3A_276 : vector<8x512xf32>
      %add3A_278 = arith.addf %add3A_211, %mul3A_240 : vector<8x512xf32>
      %scan3A_279 = arith.constant 4 : i32
      %scan3A_280 = arith.addi %scan3A_24, %scan3A_279 : i32
      %mul3A_281 = arith.constant 8 : i32
      %mul3A_282 = arith.muli %scan3A_280, %mul3A_281 : i32
      %get3A_283 = arith.index_cast %mul3A_282 : i32 to index
      %get3A_284 = arith.constant 0 : index
      %get3A_285 = vector.load %arg1[%get3A_283, %get3A_284] : memref<1920x512xf32, #tpu.memory_space<vmem>>, vector<8x512xf32>
      %mul3A_286 = arith.constant 8 : i32
      %mul3A_287 = arith.muli %scan3A_280, %mul3A_286 : i32
      %get3A_288 = arith.index_cast %mul3A_287 : i32 to index
      %get3A_289 = arith.constant 0 : index
      %get3A_290 = vector.load %arg3[%get3A_288, %get3A_289] : memref<1920x512xi8, #tpu.memory_space<vmem>>, vector<8x512xi8>
      %convert_element_type3A_291 = arith.extsi %get3A_290 : vector<8x512xi8> to vector<8x512xi32>
      %and3A_292 = arith.constant 1 : i32
      %and3A_293 = vector.broadcast %and3A_292 : i32 to vector<8x512xi32>
      %and3A_294 = arith.andi %convert_element_type3A_291, %and3A_293 : vector<8x512xi32>
      %gt3A_295 = arith.constant 0 : i32
      %gt3A_296 = vector.broadcast %gt3A_295 : i32 to vector<8x512xi32>
      %gt3A_297 = arith.cmpi sgt, %and3A_294, %gt3A_296 : vector<8x512xi32>
      %mul3A_298 = arith.constant 8 : i32
      %mul3A_299 = arith.muli %scan3A_280, %mul3A_298 : i32
      %get3A_300 = arith.index_cast %mul3A_299 : i32 to index
      %get3A_301 = arith.constant 0 : index
      %get3A_302 = vector.load %arg2[%get3A_300, %get3A_301] : memref<1920x512xf32, #tpu.memory_space<vmem>>, vector<8x512xf32>
      %shift_right_arithmetic3A_303 = arith.constant 4 : i32
      %shift_right_arithmetic3A_304 = vector.broadcast %shift_right_arithmetic3A_303 : i32 to vector<8x512xi32>
      %shift_right_arithmetic3A_305 = arith.shrsi %convert_element_type3A_291, %shift_right_arithmetic3A_304 : vector<8x512xi32>
      %convert_element_type3A_306 = arith.sitofp %shift_right_arithmetic3A_305 : vector<8x512xi32> to vector<8x512xf32>
      %mul3A_307 = arith.mulf %get3A_302, %convert_element_type3A_306 : vector<8x512xf32>
      %neg3A_308 = arith.constant 0.000000e+00 : f32
      %neg3A_309 = vector.broadcast %neg3A_308 : f32 to vector<8x512xf32>
      %neg3A_310 = arith.subf %neg3A_309, %get3A_285 : vector<8x512xf32>
      %select_n3A_311 = arith.select %gt3A_297, %neg3A_310, %get3A_285 : vector<8x512xi1>, vector<8x512xf32>
      %abs3A_312 = math.absf %get3A_285 : vector<8x512xf32>
      %neg3A_313 = arith.constant 0.000000e+00 : f32
      %neg3A_314 = vector.broadcast %neg3A_313 : f32 to vector<8x512xf32>
      %neg3A_315 = arith.subf %neg3A_314, %abs3A_312 : vector<8x512xf32>
      %exp3A_316 = math.exp %neg3A_315 : vector<8x512xf32>
      %add3A_317 = arith.constant 1.000000e+00 : f32
      %add3A_318 = vector.broadcast %add3A_317 : f32 to vector<8x512xf32>
      %add3A_319 = arith.addf %add3A_318, %exp3A_316 : vector<8x512xf32>
      %div3A_320 = arith.constant 1.000000e+00 : f32
      %div3A_321 = vector.broadcast %div3A_320 : f32 to vector<8x512xf32>
      %div3A_322 = arith.divf %div3A_321, %add3A_319 : vector<8x512xf32>
      %ge3A_323 = arith.constant 0.000000e+00 : f32
      %ge3A_324 = vector.broadcast %ge3A_323 : f32 to vector<8x512xf32>
      %ge3A_325 = arith.cmpf oge, %select_n3A_311, %ge3A_324 : vector<8x512xf32>
      %sub3A_326 = arith.constant 1.000000e+00 : f32
      %sub3A_327 = vector.broadcast %sub3A_326 : f32 to vector<8x512xf32>
      %sub3A_328 = arith.subf %sub3A_327, %div3A_322 : vector<8x512xf32>
      %select_n3A_329 = arith.select %ge3A_325, %div3A_322, %sub3A_328 : vector<8x512xi1>, vector<8x512xf32>
      %max3A_330 = arith.constant 0.000000e+00 : f32
      %max3A_331 = vector.broadcast %max3A_330 : f32 to vector<8x512xf32>
      %max3A_332 = arith.maximumf %select_n3A_311, %max3A_331 : vector<8x512xf32>
      %log3A_333 = math.log %add3A_319 : vector<8x512xf32>
      %add3A_334 = arith.addf %max3A_332, %log3A_333 : vector<8x512xf32>
      %jit3A_335 = arith.constant 2.500000e-01 : f32
      %jit3A_336 = arith.constant 7.500000e-01 : f32
      %broadcast_in_dim3A_337 = vector.broadcast %jit3A_335 : f32 to vector<8x512xf32>
      %broadcast_in_dim3A_338 = vector.broadcast %jit3A_336 : f32 to vector<8x512xf32>
      %select_n3A_339 = arith.select %gt3A_297, %broadcast_in_dim3A_337, %broadcast_in_dim3A_338 : vector<8x512xi1>, vector<8x512xf32>
      %mul3A_340 = arith.mulf %select_n3A_339, %mul3A_307 : vector<8x512xf32>
      %mul3A_341 = arith.mulf %select_n3A_329, %select_n3A_329 : vector<8x512xf32>
      %mul3A_342 = arith.mulf %mul3A_340, %mul3A_341 : vector<8x512xf32>
      %mul3A_343 = arith.mulf %mul3A_342, %add3A_334 : vector<8x512xf32>
      %add3A_344 = arith.addf %add3A_277, %mul3A_343 : vector<8x512xf32>
      %add3A_345 = arith.addf %add3A_278, %mul3A_307 : vector<8x512xf32>
      %scan3A_346 = arith.constant 5 : i32
      %scan3A_347 = arith.addi %scan3A_24, %scan3A_346 : i32
      %mul3A_348 = arith.constant 8 : i32
      %mul3A_349 = arith.muli %scan3A_347, %mul3A_348 : i32
      %get3A_350 = arith.index_cast %mul3A_349 : i32 to index
      %get3A_351 = arith.constant 0 : index
      %get3A_352 = vector.load %arg1[%get3A_350, %get3A_351] : memref<1920x512xf32, #tpu.memory_space<vmem>>, vector<8x512xf32>
      %mul3A_353 = arith.constant 8 : i32
      %mul3A_354 = arith.muli %scan3A_347, %mul3A_353 : i32
      %get3A_355 = arith.index_cast %mul3A_354 : i32 to index
      %get3A_356 = arith.constant 0 : index
      %get3A_357 = vector.load %arg3[%get3A_355, %get3A_356] : memref<1920x512xi8, #tpu.memory_space<vmem>>, vector<8x512xi8>
      %convert_element_type3A_358 = arith.extsi %get3A_357 : vector<8x512xi8> to vector<8x512xi32>
      %and3A_359 = arith.constant 1 : i32
      %and3A_360 = vector.broadcast %and3A_359 : i32 to vector<8x512xi32>
      %and3A_361 = arith.andi %convert_element_type3A_358, %and3A_360 : vector<8x512xi32>
      %gt3A_362 = arith.constant 0 : i32
      %gt3A_363 = vector.broadcast %gt3A_362 : i32 to vector<8x512xi32>
      %gt3A_364 = arith.cmpi sgt, %and3A_361, %gt3A_363 : vector<8x512xi32>
      %mul3A_365 = arith.constant 8 : i32
      %mul3A_366 = arith.muli %scan3A_347, %mul3A_365 : i32
      %get3A_367 = arith.index_cast %mul3A_366 : i32 to index
      %get3A_368 = arith.constant 0 : index
      %get3A_369 = vector.load %arg2[%get3A_367, %get3A_368] : memref<1920x512xf32, #tpu.memory_space<vmem>>, vector<8x512xf32>
      %shift_right_arithmetic3A_370 = arith.constant 4 : i32
      %shift_right_arithmetic3A_371 = vector.broadcast %shift_right_arithmetic3A_370 : i32 to vector<8x512xi32>
      %shift_right_arithmetic3A_372 = arith.shrsi %convert_element_type3A_358, %shift_right_arithmetic3A_371 : vector<8x512xi32>
      %convert_element_type3A_373 = arith.sitofp %shift_right_arithmetic3A_372 : vector<8x512xi32> to vector<8x512xf32>
      %mul3A_374 = arith.mulf %get3A_369, %convert_element_type3A_373 : vector<8x512xf32>
      %neg3A_375 = arith.constant 0.000000e+00 : f32
      %neg3A_376 = vector.broadcast %neg3A_375 : f32 to vector<8x512xf32>
      %neg3A_377 = arith.subf %neg3A_376, %get3A_352 : vector<8x512xf32>
      %select_n3A_378 = arith.select %gt3A_364, %neg3A_377, %get3A_352 : vector<8x512xi1>, vector<8x512xf32>
      %abs3A_379 = math.absf %get3A_352 : vector<8x512xf32>
      %neg3A_380 = arith.constant 0.000000e+00 : f32
      %neg3A_381 = vector.broadcast %neg3A_380 : f32 to vector<8x512xf32>
      %neg3A_382 = arith.subf %neg3A_381, %abs3A_379 : vector<8x512xf32>
      %exp3A_383 = math.exp %neg3A_382 : vector<8x512xf32>
      %add3A_384 = arith.constant 1.000000e+00 : f32
      %add3A_385 = vector.broadcast %add3A_384 : f32 to vector<8x512xf32>
      %add3A_386 = arith.addf %add3A_385, %exp3A_383 : vector<8x512xf32>
      %div3A_387 = arith.constant 1.000000e+00 : f32
      %div3A_388 = vector.broadcast %div3A_387 : f32 to vector<8x512xf32>
      %div3A_389 = arith.divf %div3A_388, %add3A_386 : vector<8x512xf32>
      %ge3A_390 = arith.constant 0.000000e+00 : f32
      %ge3A_391 = vector.broadcast %ge3A_390 : f32 to vector<8x512xf32>
      %ge3A_392 = arith.cmpf oge, %select_n3A_378, %ge3A_391 : vector<8x512xf32>
      %sub3A_393 = arith.constant 1.000000e+00 : f32
      %sub3A_394 = vector.broadcast %sub3A_393 : f32 to vector<8x512xf32>
      %sub3A_395 = arith.subf %sub3A_394, %div3A_389 : vector<8x512xf32>
      %select_n3A_396 = arith.select %ge3A_392, %div3A_389, %sub3A_395 : vector<8x512xi1>, vector<8x512xf32>
      %max3A_397 = arith.constant 0.000000e+00 : f32
      %max3A_398 = vector.broadcast %max3A_397 : f32 to vector<8x512xf32>
      %max3A_399 = arith.maximumf %select_n3A_378, %max3A_398 : vector<8x512xf32>
      %log3A_400 = math.log %add3A_386 : vector<8x512xf32>
      %add3A_401 = arith.addf %max3A_399, %log3A_400 : vector<8x512xf32>
      %jit3A_402 = arith.constant 2.500000e-01 : f32
      %jit3A_403 = arith.constant 7.500000e-01 : f32
      %broadcast_in_dim3A_404 = vector.broadcast %jit3A_402 : f32 to vector<8x512xf32>
      %broadcast_in_dim3A_405 = vector.broadcast %jit3A_403 : f32 to vector<8x512xf32>
      %select_n3A_406 = arith.select %gt3A_364, %broadcast_in_dim3A_404, %broadcast_in_dim3A_405 : vector<8x512xi1>, vector<8x512xf32>
      %mul3A_407 = arith.mulf %select_n3A_406, %mul3A_374 : vector<8x512xf32>
      %mul3A_408 = arith.mulf %select_n3A_396, %select_n3A_396 : vector<8x512xf32>
      %mul3A_409 = arith.mulf %mul3A_407, %mul3A_408 : vector<8x512xf32>
      %mul3A_410 = arith.mulf %mul3A_409, %add3A_401 : vector<8x512xf32>
      %add3A_411 = arith.addf %add3A_344, %mul3A_410 : vector<8x512xf32>
      %add3A_412 = arith.addf %add3A_345, %mul3A_374 : vector<8x512xf32>
      %scan3A_413 = arith.constant 6 : i32
      %scan3A_414 = arith.addi %scan3A_24, %scan3A_413 : i32
      %mul3A_415 = arith.constant 8 : i32
      %mul3A_416 = arith.muli %scan3A_414, %mul3A_415 : i32
      %get3A_417 = arith.index_cast %mul3A_416 : i32 to index
      %get3A_418 = arith.constant 0 : index
      %get3A_419 = vector.load %arg1[%get3A_417, %get3A_418] : memref<1920x512xf32, #tpu.memory_space<vmem>>, vector<8x512xf32>
      %mul3A_420 = arith.constant 8 : i32
      %mul3A_421 = arith.muli %scan3A_414, %mul3A_420 : i32
      %get3A_422 = arith.index_cast %mul3A_421 : i32 to index
      %get3A_423 = arith.constant 0 : index
      %get3A_424 = vector.load %arg3[%get3A_422, %get3A_423] : memref<1920x512xi8, #tpu.memory_space<vmem>>, vector<8x512xi8>
      %convert_element_type3A_425 = arith.extsi %get3A_424 : vector<8x512xi8> to vector<8x512xi32>
      %and3A_426 = arith.constant 1 : i32
      %and3A_427 = vector.broadcast %and3A_426 : i32 to vector<8x512xi32>
      %and3A_428 = arith.andi %convert_element_type3A_425, %and3A_427 : vector<8x512xi32>
      %gt3A_429 = arith.constant 0 : i32
      %gt3A_430 = vector.broadcast %gt3A_429 : i32 to vector<8x512xi32>
      %gt3A_431 = arith.cmpi sgt, %and3A_428, %gt3A_430 : vector<8x512xi32>
      %mul3A_432 = arith.constant 8 : i32
      %mul3A_433 = arith.muli %scan3A_414, %mul3A_432 : i32
      %get3A_434 = arith.index_cast %mul3A_433 : i32 to index
      %get3A_435 = arith.constant 0 : index
      %get3A_436 = vector.load %arg2[%get3A_434, %get3A_435] : memref<1920x512xf32, #tpu.memory_space<vmem>>, vector<8x512xf32>
      %shift_right_arithmetic3A_437 = arith.constant 4 : i32
      %shift_right_arithmetic3A_438 = vector.broadcast %shift_right_arithmetic3A_437 : i32 to vector<8x512xi32>
      %shift_right_arithmetic3A_439 = arith.shrsi %convert_element_type3A_425, %shift_right_arithmetic3A_438 : vector<8x512xi32>
      %convert_element_type3A_440 = arith.sitofp %shift_right_arithmetic3A_439 : vector<8x512xi32> to vector<8x512xf32>
      %mul3A_441 = arith.mulf %get3A_436, %convert_element_type3A_440 : vector<8x512xf32>
      %neg3A_442 = arith.constant 0.000000e+00 : f32
      %neg3A_443 = vector.broadcast %neg3A_442 : f32 to vector<8x512xf32>
      %neg3A_444 = arith.subf %neg3A_443, %get3A_419 : vector<8x512xf32>
      %select_n3A_445 = arith.select %gt3A_431, %neg3A_444, %get3A_419 : vector<8x512xi1>, vector<8x512xf32>
      %abs3A_446 = math.absf %get3A_419 : vector<8x512xf32>
      %neg3A_447 = arith.constant 0.000000e+00 : f32
      %neg3A_448 = vector.broadcast %neg3A_447 : f32 to vector<8x512xf32>
      %neg3A_449 = arith.subf %neg3A_448, %abs3A_446 : vector<8x512xf32>
      %exp3A_450 = math.exp %neg3A_449 : vector<8x512xf32>
      %add3A_451 = arith.constant 1.000000e+00 : f32
      %add3A_452 = vector.broadcast %add3A_451 : f32 to vector<8x512xf32>
      %add3A_453 = arith.addf %add3A_452, %exp3A_450 : vector<8x512xf32>
      %div3A_454 = arith.constant 1.000000e+00 : f32
      %div3A_455 = vector.broadcast %div3A_454 : f32 to vector<8x512xf32>
      %div3A_456 = arith.divf %div3A_455, %add3A_453 : vector<8x512xf32>
      %ge3A_457 = arith.constant 0.000000e+00 : f32
      %ge3A_458 = vector.broadcast %ge3A_457 : f32 to vector<8x512xf32>
      %ge3A_459 = arith.cmpf oge, %select_n3A_445, %ge3A_458 : vector<8x512xf32>
      %sub3A_460 = arith.constant 1.000000e+00 : f32
      %sub3A_461 = vector.broadcast %sub3A_460 : f32 to vector<8x512xf32>
      %sub3A_462 = arith.subf %sub3A_461, %div3A_456 : vector<8x512xf32>
      %select_n3A_463 = arith.select %ge3A_459, %div3A_456, %sub3A_462 : vector<8x512xi1>, vector<8x512xf32>
      %max3A_464 = arith.constant 0.000000e+00 : f32
      %max3A_465 = vector.broadcast %max3A_464 : f32 to vector<8x512xf32>
      %max3A_466 = arith.maximumf %select_n3A_445, %max3A_465 : vector<8x512xf32>
      %log3A_467 = math.log %add3A_453 : vector<8x512xf32>
      %add3A_468 = arith.addf %max3A_466, %log3A_467 : vector<8x512xf32>
      %jit3A_469 = arith.constant 2.500000e-01 : f32
      %jit3A_470 = arith.constant 7.500000e-01 : f32
      %broadcast_in_dim3A_471 = vector.broadcast %jit3A_469 : f32 to vector<8x512xf32>
      %broadcast_in_dim3A_472 = vector.broadcast %jit3A_470 : f32 to vector<8x512xf32>
      %select_n3A_473 = arith.select %gt3A_431, %broadcast_in_dim3A_471, %broadcast_in_dim3A_472 : vector<8x512xi1>, vector<8x512xf32>
      %mul3A_474 = arith.mulf %select_n3A_473, %mul3A_441 : vector<8x512xf32>
      %mul3A_475 = arith.mulf %select_n3A_463, %select_n3A_463 : vector<8x512xf32>
      %mul3A_476 = arith.mulf %mul3A_474, %mul3A_475 : vector<8x512xf32>
      %mul3A_477 = arith.mulf %mul3A_476, %add3A_468 : vector<8x512xf32>
      %add3A_478 = arith.addf %add3A_411, %mul3A_477 : vector<8x512xf32>
      %add3A_479 = arith.addf %add3A_412, %mul3A_441 : vector<8x512xf32>
      %scan3A_480 = arith.constant 7 : i32
      %scan3A_481 = arith.addi %scan3A_24, %scan3A_480 : i32
      %mul3A_482 = arith.constant 8 : i32
      %mul3A_483 = arith.muli %scan3A_481, %mul3A_482 : i32
      %get3A_484 = arith.index_cast %mul3A_483 : i32 to index
      %get3A_485 = arith.constant 0 : index
      %get3A_486 = vector.load %arg1[%get3A_484, %get3A_485] : memref<1920x512xf32, #tpu.memory_space<vmem>>, vector<8x512xf32>
      %mul3A_487 = arith.constant 8 : i32
      %mul3A_488 = arith.muli %scan3A_481, %mul3A_487 : i32
      %get3A_489 = arith.index_cast %mul3A_488 : i32 to index
      %get3A_490 = arith.constant 0 : index
      %get3A_491 = vector.load %arg3[%get3A_489, %get3A_490] : memref<1920x512xi8, #tpu.memory_space<vmem>>, vector<8x512xi8>
      %convert_element_type3A_492 = arith.extsi %get3A_491 : vector<8x512xi8> to vector<8x512xi32>
      %and3A_493 = arith.constant 1 : i32
      %and3A_494 = vector.broadcast %and3A_493 : i32 to vector<8x512xi32>
      %and3A_495 = arith.andi %convert_element_type3A_492, %and3A_494 : vector<8x512xi32>
      %gt3A_496 = arith.constant 0 : i32
      %gt3A_497 = vector.broadcast %gt3A_496 : i32 to vector<8x512xi32>
      %gt3A_498 = arith.cmpi sgt, %and3A_495, %gt3A_497 : vector<8x512xi32>
      %mul3A_499 = arith.constant 8 : i32
      %mul3A_500 = arith.muli %scan3A_481, %mul3A_499 : i32
      %get3A_501 = arith.index_cast %mul3A_500 : i32 to index
      %get3A_502 = arith.constant 0 : index
      %get3A_503 = vector.load %arg2[%get3A_501, %get3A_502] : memref<1920x512xf32, #tpu.memory_space<vmem>>, vector<8x512xf32>
      %shift_right_arithmetic3A_504 = arith.constant 4 : i32
      %shift_right_arithmetic3A_505 = vector.broadcast %shift_right_arithmetic3A_504 : i32 to vector<8x512xi32>
      %shift_right_arithmetic3A_506 = arith.shrsi %convert_element_type3A_492, %shift_right_arithmetic3A_505 : vector<8x512xi32>
      %convert_element_type3A_507 = arith.sitofp %shift_right_arithmetic3A_506 : vector<8x512xi32> to vector<8x512xf32>
      %mul3A_508 = arith.mulf %get3A_503, %convert_element_type3A_507 : vector<8x512xf32>
      %neg3A_509 = arith.constant 0.000000e+00 : f32
      %neg3A_510 = vector.broadcast %neg3A_509 : f32 to vector<8x512xf32>
      %neg3A_511 = arith.subf %neg3A_510, %get3A_486 : vector<8x512xf32>
      %select_n3A_512 = arith.select %gt3A_498, %neg3A_511, %get3A_486 : vector<8x512xi1>, vector<8x512xf32>
      %abs3A_513 = math.absf %get3A_486 : vector<8x512xf32>
      %neg3A_514 = arith.constant 0.000000e+00 : f32
      %neg3A_515 = vector.broadcast %neg3A_514 : f32 to vector<8x512xf32>
      %neg3A_516 = arith.subf %neg3A_515, %abs3A_513 : vector<8x512xf32>
      %exp3A_517 = math.exp %neg3A_516 : vector<8x512xf32>
      %add3A_518 = arith.constant 1.000000e+00 : f32
      %add3A_519 = vector.broadcast %add3A_518 : f32 to vector<8x512xf32>
      %add3A_520 = arith.addf %add3A_519, %exp3A_517 : vector<8x512xf32>
      %div3A_521 = arith.constant 1.000000e+00 : f32
      %div3A_522 = vector.broadcast %div3A_521 : f32 to vector<8x512xf32>
      %div3A_523 = arith.divf %div3A_522, %add3A_520 : vector<8x512xf32>
      %ge3A_524 = arith.constant 0.000000e+00 : f32
      %ge3A_525 = vector.broadcast %ge3A_524 : f32 to vector<8x512xf32>
      %ge3A_526 = arith.cmpf oge, %select_n3A_512, %ge3A_525 : vector<8x512xf32>
      %sub3A_527 = arith.constant 1.000000e+00 : f32
      %sub3A_528 = vector.broadcast %sub3A_527 : f32 to vector<8x512xf32>
      %sub3A_529 = arith.subf %sub3A_528, %div3A_523 : vector<8x512xf32>
      %select_n3A_530 = arith.select %ge3A_526, %div3A_523, %sub3A_529 : vector<8x512xi1>, vector<8x512xf32>
      %max3A_531 = arith.constant 0.000000e+00 : f32
      %max3A_532 = vector.broadcast %max3A_531 : f32 to vector<8x512xf32>
      %max3A_533 = arith.maximumf %select_n3A_512, %max3A_532 : vector<8x512xf32>
      %log3A_534 = math.log %add3A_520 : vector<8x512xf32>
      %add3A_535 = arith.addf %max3A_533, %log3A_534 : vector<8x512xf32>
      %jit3A_536 = arith.constant 2.500000e-01 : f32
      %jit3A_537 = arith.constant 7.500000e-01 : f32
      %broadcast_in_dim3A_538 = vector.broadcast %jit3A_536 : f32 to vector<8x512xf32>
      %broadcast_in_dim3A_539 = vector.broadcast %jit3A_537 : f32 to vector<8x512xf32>
      %select_n3A_540 = arith.select %gt3A_498, %broadcast_in_dim3A_538, %broadcast_in_dim3A_539 : vector<8x512xi1>, vector<8x512xf32>
      %mul3A_541 = arith.mulf %select_n3A_540, %mul3A_508 : vector<8x512xf32>
      %mul3A_542 = arith.mulf %select_n3A_530, %select_n3A_530 : vector<8x512xf32>
      %mul3A_543 = arith.mulf %mul3A_541, %mul3A_542 : vector<8x512xf32>
      %mul3A_544 = arith.mulf %mul3A_543, %add3A_535 : vector<8x512xf32>
      %add3A_545 = arith.addf %add3A_478, %mul3A_544 : vector<8x512xf32>
      %add3A_546 = arith.addf %add3A_479, %mul3A_508 : vector<8x512xf32>
      scf.yield %add3A_545, %add3A_546 : vector<8x512xf32>, vector<8x512xf32>
    }
    %scan3A_7 = arith.constant 240 : i32
    %get3A = arith.constant 0 : index
    %get3A_8 = arith.constant 0 : index
    %get3A_9 = vector.load %arg5[%get3A, %get3A_8] : memref<8x512xf32, #tpu.memory_space<vmem>>, vector<8x512xf32>
    %add3A = arith.addf %get3A_9, %scan3A_6#0 : vector<8x512xf32>
    %swap3A = arith.constant 0 : index
    %swap3A_10 = arith.constant 0 : index
    %swap3A_11 = vector.load %arg5[%swap3A, %swap3A_10] : memref<8x512xf32, #tpu.memory_space<vmem>>, vector<8x512xf32>
    tpu.vector_store %arg5[%swap3A, %swap3A_10], %add3A {strides = array<i32>} : memref<8x512xf32, #tpu.memory_space<vmem>>, vector<8x512xf32>,
    %get3A_12 = arith.constant 0 : index
    %get3A_13 = arith.constant 0 : index
    %get3A_14 = vector.load %arg6[%get3A_12, %get3A_13] : memref<8x512xf32, #tpu.memory_space<vmem>>, vector<8x512xf32>
    %add3A_15 = arith.addf %get3A_14, %scan3A_6#1 : vector<8x512xf32>
    %swap3A_16 = arith.constant 0 : index
    %swap3A_17 = arith.constant 0 : index
    %swap3A_18 = vector.load %arg6[%swap3A_16, %swap3A_17] : memref<8x512xf32, #tpu.memory_space<vmem>>, vector<8x512xf32>
    tpu.vector_store %arg6[%swap3A_16, %swap3A_17], %add3A_15 {strides = array<i32>} : memref<8x512xf32, #tpu.memory_space<vmem>>, vector<8x512xf32>,
    %eq3A_19 = arith.constant 19 : i32
    %eq3A_20 = arith.cmpi eq, %arg0, %eq3A_19 : i32
    %convert_element_type3A_21 = arith.extui %eq3A_20 : i1 to i32
    %cond3A_22 = arith.constant 0 : i32
    %cond3A_23 = arith.cmpi ne, %convert_element_type3A_21, %cond3A_22 : i32
    scf.if %cond3A_23 {
      %get3A_24 = arith.constant 0 : index
      %get3A_25 = arith.constant 0 : index
      %get3A_26 = vector.load %arg5[%get3A_24, %get3A_25] : memref<8x512xf32, #tpu.memory_space<vmem>>, vector<8x512xf32>
      %reduce_sum3A = vector.shape_cast %get3A_26 : vector<8x512xf32> to vector<1x8x512xf32>
      %reduce_sum3A_27 = arith.constant dense<0.000000e+00> : vector<1xf32>
      %reduce_sum3A_28 = vector.multi_reduction <add>, %reduce_sum3A, %reduce_sum3A_27 [1, 2] : vector<1x8x512xf32> to vector<1xf32>
      %reduce_sum3A_29 = vector.shape_cast %reduce_sum3A_28 : vector<1xf32> to vector<1x1x1xf32>
      %reduce_sum3A_30 = vector.extract %reduce_sum3A_29[0, 0, 0] : f32 from vector<1x1x1xf32>
      %swap3A_31 = arith.constant 0 : index
      %swap3A_32 = arith.constant 0 : index
      %swap3A_33 = memref.load %arg4[%swap3A_31, %swap3A_32] : memref<1x2xf32, #tpu.memory_space<smem>>
      memref.store %reduce_sum3A_30, %arg4[%swap3A_31, %swap3A_32] : memref<1x2xf32, #tpu.memory_space<smem>>
      %get3A_34 = arith.constant 0 : index
      %get3A_35 = arith.constant 0 : index
      %get3A_36 = vector.load %arg6[%get3A_34, %get3A_35] : memref<8x512xf32, #tpu.memory_space<vmem>>, vector<8x512xf32>
      %reduce_sum3A_37 = vector.shape_cast %get3A_36 : vector<8x512xf32> to vector<1x8x512xf32>
      %reduce_sum3A_38 = arith.constant dense<0.000000e+00> : vector<1xf32>
      %reduce_sum3A_39 = vector.multi_reduction <add>, %reduce_sum3A_37, %reduce_sum3A_38 [1, 2] : vector<1x8x512xf32> to vector<1xf32>
      %reduce_sum3A_40 = vector.shape_cast %reduce_sum3A_39 : vector<1xf32> to vector<1x1x1xf32>
      %reduce_sum3A_41 = vector.extract %reduce_sum3A_40[0, 0, 0] : f32 from vector<1x1x1xf32>
      %swap3A_42 = arith.constant 0 : index
      %swap3A_43 = arith.constant 1 : index
      %swap3A_44 = memref.load %arg4[%swap3A_42, %swap3A_43] : memref<1x2xf32, #tpu.memory_space<smem>>
      memref.store %reduce_sum3A_41, %arg4[%swap3A_42, %swap3A_43] : memref<1x2xf32, #tpu.memory_space<smem>>
    } else {
    }
    return
  }
  func.func @transform_0(%arg0: i32) -> (i32, i32) {
    %c0_i32 = arith.constant 0 : i32
    %c0_i32_0 = arith.constant 0 : i32
    return %arg0, %c0_i32 : i32, i32
  }
  func.func @transform_1(%arg0: i32) -> (i32, i32) {
    %c0_i32 = arith.constant 0 : i32
    %c0_i32_0 = arith.constant 0 : i32
    return %arg0, %c0_i32 : i32, i32
  }
  func.func @transform_2(%arg0: i32) -> (i32, i32) {
    %c0_i32 = arith.constant 0 : i32
    %c0_i32_0 = arith.constant 0 : i32
    return %arg0, %c0_i32 : i32, i32
  }
  func.func @transform_3(%arg0: i32) -> (i32, i32) {
    %c0_i32 = arith.constant 0 : i32
    %c0_i32_0 = arith.constant 0 : i32
    %c0_i32_1 = arith.constant 0 : i32
    return %c0_i32, %c0_i32_0 : i32, i32
  }
}

</mosaic_0001>

<sc_bundles>
// kernel: kernel.4.cloned.1.call-start
scs
__scs_entry_jumppad:
0x0: {  	(pc) =	sbr.rel $0x88, $3  }
0x1: {  	(tag) =	ssettag $0x0;
	lr =	simm.s32 $0x1  }
0x2: {  	[smem:$0x3F9D] =	sst lr;
	_ =	strace $0xD0000000  }
0x3: {  	_ = 	snop  }
0x4: {  	_ = 	snop  }
0x5: {  	_ = 	snop  }
0x6: {  	_ = 	snop  }
0x7: {  	_ = 	snop  }
__scs_overlays_trampoline_lowered:
0x8: {  	[smem:$0x3FAC] =	sst s0  }
0x9: {  	[smem:$0x3FAD] =	sst s1  }
0xa: {  	[smem:$0x3FAE] =	sst s2  }
0xb: {  	[smem:$0x3FAF] =	sst s3  }
0xc: {  	[smem:$0x3FB0] =	sst s4  }
0xd: {  	[smem:$0x3FB1] =	sst s5  }
0xe: {  	[smem:$0x3FB2] =	sst s6  }
0xf: {  	[smem:$0x3FB3] =	sst s7  }
0x10: {  	[smem:$0x3FB4] =	sst s8  }
0x11: {  	[smem:$0x3FB5] =	sst s9;
	s0 =	simm.s32 @!p0 $0x0  }
0x12: {  	s1 =	sld [smem:$0x3F9B];
	s0 =	simm.s32 @p0 $0x1  }
0x13: {  	[smem:$0x3FB6] =	sst s0;
	s0 =	simm.s32 @!p1 $0x0  }
0x14: {  	s2 =	sld [smem:$0x3F9A];
	s0 =	simm.s32 @p1 $0x1  }
0x15: {  	[smem:$0x3FB7] =	sst s0;
	s0 =	simm.s32 @!p2 $0x0  }
0x16: {  	s3 =	sld [smem:$0x3FDB];
	s0 =	simm.s32 @p2 $0x1  }
0x17: {  	s4 =	simm.s32 $0x1BF5;
	[smem:$0x3FB9] =	sst s0  }
0x18: {  	s0 =	sld [smem:$0x3F9C];
	_ =	swait.ge [sflag:s4], $0x0  }
0x19: {  	s7 =	sld [smem:$0x3F9D]  }
0x1a: {  	s8 =	sadd.s32 $0xFFFFE003, lr  }
0x1b: {  	s9 =	sadd.s32 $0xFFFFFEF7, lr;
	s5 =	simm.s32 $0xFFFFFFFF;
	p2 =	slt.u32 s8, $0xFFFFF086  }
0x1c: {  	p1 =	slt.u32 s9, $0xF7A;
	s5 =	simm.s32 @!p2 $0x0  }
0x1d: {  	s5 =	simm.s32 @p1 $0x1;
	p0 =	seq.s32 s7, s2  }
0x1e: {  	s7 =	smul.u32 @!p0 $0xF7A, s2;
	p2 =	seq.s32 @!p0 s5, $0x0  }
0x1f: {  	s9 =	smul.u32 $0xF7A, s1;
	s8 =	simm.s32 @!p0 $0x1BF5;
	p2 =	por !p2, p0  }
0x20: {  	[sflag:s8] =	ssyncset.s32 @!p0 $0xFFFFF086;
	s6 =	sadd.s32 @!p0 s3, s7;
	s7 =	simm.s32 @!p0 $0x108  }
0x21: {  	s3 =	sadd.s32 s3, s9;
	s6 =	sadd.s32 @!p0 $0x88, s6;
	s7 =	simm.s32 @p2 $0x1082  }
0x22: {  	[simem:s7], [sflag:s8] =	dma.local @!p0 [hbm:s6], $0xF7A  }
0x23: {  	s9 =	sor.u32 $0xD0000000, s2;
	s6 =	simm.s32 $0x108;
	_ =	swait.ge @!p0 [sflag:s8], $0x0  }
0x24: {  	s3 =	sadd.s32 $0x88, s3;
	s6 =	simm.s32 @!p1 $0x1082;
	[sflag:s4] =	ssyncset.s32 $0xFFFFF086  }
0x25: {  	[simem:s6], [sflag:s4] =	dma.local [hbm:s3], $0xF7A  }
0x26: {  	[smem:$0x3F9D] =	sst s1;
	(tag) =	ssettag s2;
	_ =	strace s9  }
0x27: {  	s1 =	sld [smem:$0x3FAD]  }
0x28: {  	s2 =	sld [smem:$0x3FAE]  }
0x29: {  	s4 =	sld [smem:$0x3FB0]  }
0x2a: {  	p0 =	seq.s32 s5, $0x0;
	s5 =	sld [smem:$0x3FB1]  }
0x2b: {  	s6 =	sld [smem:$0x3FB2]  }
0x2c: {  	s7 =	sld [smem:$0x3FB3]  }
0x2d: {  	s3 =	simm.s32 $0x108;
	s8 =	sld [smem:$0x3FB4]  }
0x2e: {  	s3 =	simm.s32 @!p0 $0x1082;
	s9 =	sld [smem:$0x3FB5]  }
0x2f: {  	lr =	sadd.s32 s0, s3;
	s0 =	sld [smem:$0x3FAC]  }
0x30: {  	s3 =	sld [smem:$0x3FAF]  }
0x31: {  	[smem:$0x3FB8] =	sst s10  }
0x32: {  	s10 =	sld [smem:$0x3FB6];
	_ =	sdelay $0x3  }
0x33: {  	p0 =	seq.s32 s10, $0x1;
	s10 =	sld [smem:$0x3FB8];
	_ =	sdelay $0x3  }
0x34: {  	[smem:$0x3FB8] =	sst s10  }
0x35: {  	s10 =	sld [smem:$0x3FB7];
	_ =	sdelay $0x3  }
0x36: {  	p1 =	seq.s32 s10, $0x1;
	s10 =	sld [smem:$0x3FB8];
	_ =	sdelay $0x3  }
0x37: {  	[smem:$0x3FB8] =	sst s10  }
0x38: {  	s10 =	sld [smem:$0x3FB9]  }
0x39: {  	_ = 	snop;
	(pc) =	sbr.ind lr, $3  }
0x3a: {  	_ = 	snop  }
0x3b: {  	_ = 	snop  }
0x3c: {  	p2 =	seq.s32 s10, $0x1;
	s10 =	sld [smem:$0x3FB8]  }
0x3d: {  	_ =	shalt  }
0x3e: {  	_ =	shalt  }
0x3f: {  	_ =	shalt  }
0x40: {  	_ =	shalt  }
0x41: {  	_ =	shalt  }
0x42: {  	_ =	shalt  }
0x43: {  	_ =	shalt  }
0x44: {  	_ =	shalt  }
0x45: {  	_ =	shalt  }
0x46: {  	_ =	shalt  }
0x47: {  	_ =	shalt  }
0x48: {  	_ =	shalt  }
0x49: {  	_ =	shalt  }
0x4a: {  	_ =	shalt  }
0x4b: {  	_ =	shalt  }
0x4c: {  	_ =	shalt  }
0x4d: {  	_ =	shalt  }
0x4e: {  	_ =	shalt  }
0x4f: {  	_ =	shalt  }
0x50: {  	_ =	shalt  }
0x51: {  	_ =	shalt  }
0x52: {  	_ =	shalt  }
0x53: {  	_ =	shalt  }
0x54: {  	_ =	shalt  }
0x55: {  	_ =	shalt  }
0x56: {  	_ =	shalt  }
0x57: {  	_ =	shalt  }
0x58: {  	_ =	shalt  }
0x59: {  	_ =	shalt  }
0x5a: {  	_ =	shalt  }
0x5b: {  	_ =	shalt  }
0x5c: {  	_ =	shalt  }
0x5d: {  	_ =	shalt  }
0x5e: {  	_ =	shalt  }
0x5f: {  	_ =	shalt  }
0x60: {  	_ =	shalt  }
0x61: {  	_ =	shalt  }
0x62: {  	_ =	shalt  }
0x63: {  	_ =	shalt  }
0x64: {  	_ =	shalt  }
0x65: {  	_ =	shalt  }
0x66: {  	_ =	shalt  }
0x67: {  	_ =	shalt  }
0x68: {  	_ =	shalt  }
0x69: {  	_ =	shalt  }
0x6a: {  	_ =	shalt  }
0x6b: {  	_ =	shalt  }
0x6c: {  	_ =	shalt  }
0x6d: {  	_ =	shalt  }
0x6e: {  	_ =	shalt  }
0x6f: {  	_ =	shalt  }
0x70: {  	_ =	shalt  }
0x71: {  	_ =	shalt  }
0x72: {  	_ =	shalt  }
0x73: {  	_ =	shalt  }
0x74: {  	_ =	shalt  }
0x75: {  	_ =	shalt  }
0x76: {  	_ =	shalt  }
0x77: {  	_ =	shalt  }
0x78: {  	_ =	shalt  }
0x79: {  	_ =	shalt  }
0x7a: {  	_ =	shalt  }
0x7b: {  	_ =	shalt  }
0x7c: {  	_ =	shalt  }
0x7d: {  	_ =	shalt  }
0x7e: {  	_ =	shalt  }
0x7f: {  	_ =	shalt  }
0x80: {  	_ =	shalt  }
0x81: {  	_ =	shalt  }
0x82: {  	_ =	shalt  }
0x83: {  	_ =	shalt  }
0x84: {  	_ =	shalt  }
0x85: {  	_ =	shalt  }
0x86: {  	_ =	shalt  }
0x87: {  	_ =	shalt  }
.Lfunc_end0:
.L_simem_size_0:
called_computation_lowered:
.L_overlay_start_0:
0x88: {  	s2 =	sld [smem:$0x3FD9]  }
0x89: {  	s3 =	sld [smem:$0x3FFE];
	_ =	sdelay $0x1  }
0x8a: {  	s1 =	srdreg.scid  }
0x8b: {  	s0 =	sand.u32 $0x1, s1  }
0x8c: {  	s17 =	sshll.u32 s0, $0xA;
	s2 =	sadd.s32 s3, s2  }
0x8d: {  	s2 =	sadd.s32 s2, s17  }
0x8e: {  	[smem:$0x3FC4] =	sst s2  }
0x8f: {  	_ = 	snop  }
0x90: {  	s2 =	sld [smem:$0x3FC9]  }
0x91: {  	s18 =	sld [smem:$0x3FC8];
	(tm) =	ssettm $0x1  }
0x92: {  	s4 =	sld [smem:$0x3FFB];
	_ =	sdelay $0x3  }
0x93: {  	_ =	strace s4  }
0x94: {  	s4 =	sld [smem:$0x3FFC];
	_ =	sdelay $0x3  }
0x95: {  	_ =	strace s4  }
0x96: {  	s4 =	sld [smem:$0x3FFD];
	_ =	sdelay $0x3  }
0x97: {  	_ =	strace s4  }
0x98: {  	_ =	strace $0x8FFFFFFF  }
0x99: {  	s19 =	sld [smem:$0x3FDB];
	_ =	sdelay $0x1  }
0x9a: {  	s5 =	simm.s32 $_scs_section_size  }
0x9b: {  	s6 =	simm.s32 $_size__tile_overlayer_lowered;
	s7 =	simm.s32 $_tile_overlayer_lowered  }
0x9c: {  	s22 =	simm.s32 $0x1BFF;
	s21 =	sshll.u32 s7, $0x1;
	s4 =	sadd.s32 s5, s19  }
0x9d: {  	s8 =	simm.s32 $0x0;
	s20 =	sshll.u32 s6, $0x1;
	s6 =	sadd.s32 s21, s4  }
0x9e: {  	[timem:s8], [sflag:s22] =	dma.local [hbm:s6], s20  }
0x9f: {  	_ =	swait.ge [sflag:s22], s20  }
0xa0: {  	s5 =	ssub.s32 $0x0, s20;
	[sflag:s22] =	ssyncset.done $0x0  }
0xa1: {  	[sflag:s22] =	ssyncadd.s32 s5;
	_ =	sdelay $0x1  }
0xa2: {  	s23 =	simm.s32 $0x1B8B  }
0xa3: {  	_ =	swait.ge [sflag:s23], $0x1  }
0xa4: {  	[sflag:s23] =	ssyncset.done $0x0  }
0xa5: {  	s25 =	simm.s32 $0x1B8E;
	s24 =	sld [smem:$0x3FFE];
	[sflag:s23] =	ssyncadd.s32 $0xFFFFFFFF  }
0xa6: {  	s26 =	simm.s32 $execute0_lowered;
	[smem:$0x3FD2] =	sst s25  }
0xa7: {  	s6 =	sshll.u32 s26, $0x1;
	_ =	strace $0x80000046;
	[dreg:$0x1] =	wrdreg $0xFFFFFFFF  }
0xa8: {  	s28 =	simm.s32 $_size_execute0_lowered;
	s4 =	sadd.s32 s4, s6;
	[dreg:$0x0] =	wrdreg $0x0  }
0xa9: {  	s6 =	sshll.u32 s28, $0x1;
	[dreg:$0x2] =	wrdreg s4  }
0xaa: {  	[dreg:$0x3] =	wrdreg s6  }
0xab: {  	[dreg:$0x4] =	wrdreg $0xC0  }
0xac: {  	_ =	task [dreg:s8], $0x5FFFF  }
0xad: {  	[dreg:$0x1] =	wrdreg $0xFFFFFFFF  }
0xae: {  	[dreg:$0x0] =	wrdreg $0x60  }
0xaf: {  	[dreg:$0x2] =	wrdreg s2  }
0xb0: {  	[dreg:$0x3] =	wrdreg s18  }
0xb1: {  	[dreg:$0x4] =	wrdreg s24  }
0xb2: {  	[dreg:$0x5] =	wrdreg $0x9  }
0xb3: {  	_ =	task.clear_ibuf [dreg:s8], $0x6FFFF;
	_ =	strace $0x90000046  }
0xb4: {  	s29 =	simm.s32 $0x9;
	_ =	strace $0x80000048  }
0xb5: {  	_ =	swait.ge [sflag:s29], $0x1  }
0xb6: {  	[sflag:s29] =	ssyncadd.s32 $0xFFFFFFFF  }
0xb7: {  	_ =	strace $0x90000048  }
0xb8: {  	_ =	sfence  }
0xb9: {  	s30 =	sld [smem:$0x0];
	_ =	sdelay $0x2  }
0xba: {  	s31 =	sshll.u32 s1, $0xD;
	s1 =	sshrl.u32 s1, $0x2  }
0xbb: {  	s3 =	sand.u32 $0x4000, s31;
	s1 =	sadd.s32 s1, s30  }
0xbc: {  	s0 =	sor.u32 s3, s0;
	s1 =	sshll.u32 s1, $0x11  }
0xbd: {  	s0 =	sor.u32 s1, s0  }
0xbe: {  	s0 =	sadd.s32 $0x8F2B, s0  }
0xbf: {  	[sflag:s0] =	ssyncadd.remote.s32 $0x1  }
0xc0: {  	_ =	sfence.sel $0xFFFF  }
0xc1: {  	[dreg:$0x0] =	wrdreg $0xFFFFFFFF;
	(pc) =	sbr.abs _section_cstart, $3  }
0xc2: {  	[dreg:$0x1] =	wrdreg $0xFFFFFFFF  }
0xc3: {  	_ =	task.clear_ibuf [dreg:s8], $0x2FFFF;
	_ =	strace $0x9FFFFFFF  }
0xc4: {  	(tm) =	ssettm $0x7FFFFFFF  }
0xc5: {  	_ =	shalt  }
tec
execute0_lowered:
.L_overlay_start_1:
0x0: {  	(tag) =	ssettag $0x1  }
0x1: {  	v0 =	vlaneseq.u32;
	v1 =	vimm.s32 $0xF000000  }
0x2: {  	vm0 =	vcmask $0x300;
	v2 =	vimm.s32 $0xF0000000;
	vm1 =	vcmask $0x704  }
0x3: {  	vm6 =	vcmask $0xB08;
	v1 =	vsel vm0, $0xF, v1;
	v2 =	vsel vm0, $0xF0, v2  }
0x4: {  	s0 =	rddreg [dreg:$0x0];
	vm7 =	vcmask $0x1310;
	v1 =	vsel vm1, $0xF00, v1;
	v2 =	vsel vm1, $0xF000, v2  }
0x5: {  	s1 =	rddreg [dreg:$0x1];
	vm8 =	vcmask $0x1714;
	v1 =	vsel vm6, $0xF0000, v1;
	v2 =	vsel vm6, $0xF00000, v2  }
0x6: {  	s3 =	rddreg [dreg:$0x2];
	vm9 =	vcmask $0x1B18;
	v1 =	vsel vm7, $0xF, v1;
	v2 =	vsel vm7, $0xF0, v2  }
0x7: {  	s2 =	rddreg [dreg:$0x3];
	s6 =	srdreg.scid;
	vm10 =	vcmask $0x2320;
	v1 =	vsel vm8, $0xF00, v1;
	v2 =	vsel vm8, $0xF000, v2  }
0x8: {  	s4 =	stileid.u32;
	s5 =	simm.s32 $0x0;
	vm11 =	vcmask $0x2724;
	s10 =	simm.s32 $0x1;
	v1 =	vsel vm9, $0xF0000, v1;
	v2 =	vsel vm9, $0xF00000, v2  }
0x9: {  	vm12 =	vcmask $0x2B28;
	s11 =	simm.s32 $0x2000;
	s12 =	simm.s32 $0x4000;
	s13 =	simm.s32 $0x4800;
	v1 =	vsel vm10, $0xF, v1;
	v2 =	vsel vm10, $0xF0, v2  }
0xa: {  	vm13 =	vcmask $0x3330;
	s14 =	simm.s32 $0x0;
	s6 =	sand.u32 $0x1, s6;
	s7 =	sshll.u32 s4, $0x1;
	v1 =	vsel vm11, $0xF00, v1;
	v2 =	vsel vm11, $0xF000, v2  }
0xb: {  	vm14 =	vcmask $0x3734;
	[smem:$0x7FF] =	sst s5;
	s7 =	sor.u32 s6, s7;
	s9 =	ssub.s32 $0x2, s6;
	v1 =	vsel vm12, $0xF0000, v1;
	v2 =	vsel vm12, $0xF00000, v2  }
0xc: {  	vm15 =	vcmask $0x3B38;
	s8 =	sshll.u32 s7, $0x5;
	s6 =	smul.u32 $0x50, s7;
	s31 =	sshrl.u32 s9, $0x1;
	v1 =	vsel vm13, $0xF, v1;
	v2 =	vsel vm13, $0xF0, v2  }
0xd: {  	v3 =	vimm.f32 $2.500000000e-01;
	_ =	strace $0x80000047;
	s8 =	sadd.s32 s8, s3;
	s9 =	ssub.s32 s9, s31;
	v1 =	vsel vm14, $0xF00, v1;
	v2 =	vsel vm14, $0xF000, v2  }
0xe: {  	v0 =	vshrl.u32 v0, $0x2;
	s7 =	sadd.s32 $0x9600, s6;
	s8 =	sadd.s32 $0xA000, s8;
	s9 =	smax.u32 s9, $0x1;
	v1 =	vsel vm15, $0xF0000, v1;
	v2 =	vsel vm15, $0xF00000, v2  }
.LBB2_1:
0xf: {  	v5 =	vimm.f32 $0.0e+00;
	v4 =	vimm.f32 $0.0e+00;
	s15 =	simm.s32 $0x0  }
.LBB2_2:
0x10: {  	s17 =	sshll.u32 s15, $0x4  }
0x11: {  	s16 =	sadd.s32 s17, s7  }
0x12: {  	s18 =	sshll.u32 s16, $0x6  }
0x13: {  	s16 =	simm.s32 $0x0;
	s19 =	sadd.s32 s0, s18  }
0x14: {  	[tilespmem:s16], [sflag:$0x1] =	stream.linear.gather [hbm4b:s19+s16], $0x2000, $0x38;
	[tilespmem:$0x4900] =	vst v63  }
0x15: {  	_ =	swait.ge [sflag:s10], $0x2000  }
0x16: {  	[sflag:s10] =	ssyncset.done $0x0  }
0x17: {  	s18 =	sadd.s32 s1, s18;
	[sflag:s10] =	ssyncadd.s32 $0xFFFFE000  }
0x18: {  	[tilespmem:s11], [sflag:$0x1] =	stream.linear.gather [hbm4b:s18+s16], $0x2000, $0x38;
	[tilespmem:$0x4900] =	vst v63  }
0x19: {  	s17 =	sadd.s32 s6, s17;
	_ =	swait.ge [sflag:s10], $0x2000  }
0x1a: {  	s17 =	sshll.u32 s17, $0x4;
	[sflag:s10] =	ssyncset.done $0x0  }
0x1b: {  	s17 =	sadd.s32 s3, s17;
	[sflag:s10] =	ssyncadd.s32 $0xFFFFE000  }
0x1c: {  	[tilespmem:s12], [sflag:$0x1] =	stream.linear.gather [hbm4b:s17+s16], $0x800, $0x38;
	[tilespmem:$0x4900] =	vst v63  }
0x1d: {  	_ =	swait.ge [sflag:s10], $0x800  }
0x1e: {  	[sflag:s10] =	ssyncset.done $0x0  }
0x1f: {  	s17 =	simm.s32 $0x0;
	[sflag:s10] =	ssyncadd.s32 $0xFFFFF800  }
.LBB2_3:
0x20: {  	s18 =	sshll.u32 s17, $0x9;
	s19 =	sshll.u32 s17, $0x7  }
0x21: {  	s20 =	sand.u32 $0x1000, s18;
	s19 =	sand.u32 $0x380, s19  }
0x22: {  	s22 =	sor.u32 s20, s19;
	s20 =	sand.u32 $0xC00, s16  }
0x23: {  	s21 =	sand.u32 $0x70, s16;
	s19 =	sor.u32 s20, s22  }
0x24: {  	s26 =	sor.u32 s21, s19  }
0x25: {  	v9 =	vld [tilespmem:s26+$0x0];
	_ =	sdelay $0x4  }
0x26: {  	v6 =	vand.u32 $0x7FFFFFFF, v9  }
0x27: {  	v6 =	vsub.f32 $0.0e+00, v6;
	_ =	sdelay $0x1  }
0x28: {  	v6 =	vmul.f32 $1.442695020e+00, v6;
	_ =	sdelay $0x1  }
0x29: {  	s23 =	simm.s32 $0x80;
	(erf) = vpow2.f32 v6  }
0x2a: {  	s24 =	simm.s32 $0x10;
	s19 =	sand.u32 $0xC00, s23  }
0x2b: {  	s20 =	sand.u32 $0x70, s24;
	s19 =	sor.u32 s19, s22  }
0x2c: {  	s21 =	sor.u32 s20, s19  }
0x2d: {  	v8 =	vld [tilespmem:s21+$0x0];
	_ =	sdelay $0x4  }
0x2e: {  	v6 =	vand.u32 $0x7FFFFFFF, v8;
	v10 =	vpop (erf)  }
0x2f: {  	v6 =	vsub.f32 $0.0e+00, v6;
	v7 =	vmul.f32 $-1.741417500e-02, v10  }
0x30: {  	s25 =	simm.s32 $0x100;
	s18 =	sshrl.u32 s18, $0x2  }
0x31: {  	s30 =	simm.s32 $0x20;
	s18 =	sadd.s32 $0x4000, s18;
	s19 =	sand.u32 $0xC00, s25;
	v11 =	vmul.f32 $1.442695020e+00, v6;
	v7 =	vadd.f32 $8.269169920e-02, v7  }
0x32: {  	s19 =	sor.u32 s19, s22;
	v6 =	vmov s18;
	s18 =	sand.u32 $0x70, s30  }
0x33: {  	s19 =	sor.u32 s18, s19;
	(erf) = vpow2.f32 v11;
	v11 =	vmul.f32 v7, v10  }
0x34: {  	v7 =	vld [tilespmem:s19+$0x0]  }
0x35: {  	v11 =	vadd.f32 $-1.903550770e-01, v11;
	_ =	sdelay $0x1  }
0x36: {  	v11 =	vmul.f32 v11, v10  }
0x37: {  	s31 =	smin.u32 s16, $0x70  }
0x38: {  	v12 =	vld.idx.msk [tilespmem:v6+s31+$0x0 ss:$0x1], $0xffff;
	v13 =	vadd.f32 $3.157478570e-01, v11;
	v11 =	vand.u32 $0x7FFFFFFF, v7  }
0x39: {  	v14 =	vadd.f32 $1.000000000e+00, v10;
	_ =	sdelay $0x1  }
0x3a: {  	s18 =	ssub.s32 $0x0, s31;
	v16 =	vsub.f32 $0.0e+00, v11;
	v11 =	vpop (erf);
	(erf) = vrcp.f32 v14  }
0x3b: {  	v15 =	vor.u32 s18, v0  }
0x3c: {  	v12 =	vperm.xlane v12, v15  }
0x3d: {  	v13 =	vmul.f32 v13, v10  }
0x3e: {  	v18 =	vand.u32 v2, v12;
	v14 =	vand.u32 v1, v12;
	v12 =	vld [tilespmem:s26+$0x2000];
	v15 =	vmul.f32 $-1.741417500e-02, v11  }
0x3f: {  	s24 =	simm.s32 $0x30;
	s23 =	simm.s32 $0x4;
	v16 =	vmul.f32 $1.442695020e+00, v16;
	v17 =	vadd.f32 $-4.973734020e-01, v13  }
0x40: {  	s28 =	smin.u32 s23, $0x70;
	s20 =	simm.s32 $0x8;
	s25 =	simm.s32 $0x180;
	v13 =	vadd.f32 $8.269169920e-02, v15  }
0x41: {  	s29 =	sand.u32 $0xC00, s25;
	s18 =	simm.s32 $0xC;
	vm0 =	veq.s32 v18, $0x0;
	s26 =	simm.s32 $0x10;
	(erf) = vpow2.f32 v16;
	v15 =	vmul.f32 v17, v10  }
.LBB2_4:
0x42: {  	p0 =	sne.s32 s26, $0x7C;
	s30 =	sand.u32 $0x70, s24;
	s29 =	sor.u32 s29, s22;
	v13 =	vmul.f32 v13, v11;
	vm1 =	veq.s32 v14, $0x0;
	v14 =	vsub.f32 $0.0e+00, v9  }
0x43: {  	s29 =	sor.u32 s30, s29;
	v16 =	vld.idx.msk [tilespmem:v6+s28+$0x0 ss:$0x1], $0xffff;
	v17 =	vsel vm0, $0x0, v12;
	v12 =	vadd.f32 $9.998477100e-01, v15;
	v15 =	vsel vm1, $0x3F400000, v3;
	v18 =	vpop (erf)  }
0x44: {  	v13 =	vadd.f32 $-1.903550770e-01, v13;
	v14 =	vsel vm1, v9, v14;
	v19 =	vsub.f32 $1.000000000e+00, v18;
	v9 =	vmovc v8;
	v8 =	vmovc v7;
	v7 =	vld [tilespmem:s29+$0x0]  }
0x45: {  	v20 =	vadd.f32 $1.000000000e+00, v11;
	vm0 =	vge.f32 v14, $0.0e+00;
	v12 =	vmul.f32 v12, v10;
	v10 =	vmovc v11  }
0x46: {  	v15 =	vmul.f32 v17, v15;
	v11 =	vmul.f32 v13, v10;
	v13 =	vsel vm0, v18, v19  }
0x47: {  	s28 =	ssub.s32 s23, s28;
	s23 =	smov.u32 s20;
	s20 =	smov.u32 s18;
	(erf) = vrcp.f32 v20;
	v12 =	vadd.f32 $1.470937830e-06, v12;
	v13 =	vmul.f32 v13, v13  }
0x48: {  	s18 =	smov.u32 s26;
	v21 =	vmax.f32 v14, $0.0e+00;
	v18 =	vor.u32 s28, v0;
	v19 =	vadd.f32 $3.157478570e-01, v11  }
0x49: {  	v14 =	vand.u32 $0x7FFFFFFF, v7;
	v20 =	vadd.f32 v12, v21;
	v13 =	vmul.f32 v13, v15  }
.Ltmp0:
0x4a: {  	v15 =	vperm.xlane v16, v18;
	v14 =	vsub.f32 $0.0e+00, v14;
	v11 =	vpop (erf);
	v16 =	vmul.f32 v19, v10;
	(pc) =	sbr.rel @p0 .LBB2_4-.Ltmp0, $4  }
0x4b: {  	v5 =	vadd.f32 v17, v5;
	v18 =	vmul.f32 $-1.741417500e-02, v11;
	v12 =	vld [tilespmem:s21+$0x2000];
	v19 =	vmul.f32 v20, v13;
	s21 =	smov.u32 s19;
	s19 =	smov.u32 s29  }
0x4c: {  	v20 =	vand.u32 v2, v15;
	v17 =	vmul.f32 $1.442695020e+00, v14;
	v16 =	vadd.f32 $-4.973734020e-01, v16  }
0x4d: {  	s25 =	sadd.s32 $0x80, s25;
	s24 =	sadd.s32 $0x10, s24;
	v14 =	vand.u32 v1, v15;
	v13 =	vadd.f32 $8.269169920e-02, v18;
	v4 =	vadd.f32 v19, v4  }
0x4e: {  	s26 =	sadd.s32 $0x4, s26;
	s28 =	smin.u32 s23, $0x70;
	s29 =	sand.u32 $0xC00, s25;
	vm0 =	veq.s32 v20, $0x0;
	(erf) = vpow2.f32 v17;
	v15 =	vmul.f32 v16, v10  }
0x4f: {  	s24 =	sand.u32 $0x70, s24;
	s22 =	sor.u32 s29, s22  }
0x50: {  	s22 =	sor.u32 s24, s22  }
0x51: {  	v16 =	vld [tilespmem:s22+$0x0];
	_ =	sdelay $0x3  }
0x52: {  	v13 =	vmul.f32 v13, v11  }
0x53: {  	v58 =	vsub.f32 $0.0e+00, v9;
	v20 =	vadd.f32 $1.000000000e+00, v11;
	v19 =	vand.u32 $0x7FFFFFFF, v16  }
0x54: {  	vm1 =	veq.s32 v14, $0x0;
	v33 =	vsub.f32 $0.0e+00, v8;
	v19 =	vsub.f32 $0.0e+00, v19  }
0x55: {  	v50 =	vsub.f32 $0.0e+00, v7;
	v12 =	vsel vm0, $0x0, v12;
	v15 =	vadd.f32 $9.998477100e-01, v15  }
0x56: {  	s23 =	ssub.s32 s23, s28;
	v17 =	vsel vm1, $0x3F400000, v3;
	v13 =	vadd.f32 $-1.903550770e-01, v13;
	v61 =	vmul.f32 $1.442695020e+00, v19  }
0x57: {  	v18 =	vpop (erf);
	v62 =	vor.u32 s23, v0;
	v9 =	vsel vm1, v9, v58;
	(erf) = vrcp.f32 v20  }
0x58: {  	v60 =	vld.idx.msk [tilespmem:v6+s28+$0x0 ss:$0x1], $0xffff;
	s30 =	smin.u32 s20, $0x70;
	v59 =	vsub.f32 $1.000000000e+00, v18;
	v13 =	vmul.f32 v13, v11;
	(erf) = vpow2.f32 v61  }
0x59: {  	s31 =	smin.u32 s18, $0x70;
	v40 =	vld.idx.msk [tilespmem:v6+s30+$0x0 ss:$0x1], $0xffff;
	v17 =	vmul.f32 v12, v17;
	vm6 =	vge.f32 v9, $0.0e+00;
	v10 =	vmul.f32 v15, v10  }
0x5a: {  	s20 =	ssub.s32 s20, s30;
	v6 =	vld.idx.msk [tilespmem:v6+s31+$0x0 ss:$0x1], $0xffff;
	v5 =	vadd.f32 v12, v5;
	v14 =	vsel vm6, v18, v59;
	v13 =	vadd.f32 $3.157478570e-01, v13  }
0x5b: {  	s18 =	ssub.s32 s18, s31;
	v43 =	vor.u32 s20, v0;
	v10 =	vadd.f32 $1.470937830e-06, v10;
	v14 =	vmul.f32 v14, v14  }
0x5c: {  	v55 =	vor.u32 s18, v0;
	v9 =	vmax.f32 v9, $0.0e+00;
	v13 =	vmul.f32 v13, v11  }
0x5d: {  	v25 =	vperm.xlane v60, v62;
	v9 =	vadd.f32 v10, v9;
	v24 =	vmul.f32 v14, v17;
	v63 =	vpop (erf)  }
0x5e: {  	v46 =	vperm.xlane v40, v43;
	v26 =	vmul.f32 $-1.741417500e-02, v63;
	v28 =	vadd.f32 $-4.973734020e-01, v13  }
0x5f: {  	v6 =	vperm.xlane v6, v55;
	v29 =	vand.u32 v2, v25;
	v9 =	vmul.f32 v9, v24  }
0x60: {  	v27 =	vld [tilespmem:s21+$0x2000];
	v14 =	vand.u32 v1, v25;
	v30 =	vadd.f32 $8.269169920e-02, v26;
	v35 =	vpop (erf);
	v31 =	vmul.f32 v28, v11  }
0x61: {  	v58 =	vsub.f32 $0.0e+00, v16;
	vm7 =	veq.s32 v29, $0x0;
	v4 =	vadd.f32 v9, v4;
	v37 =	vpop (erf)  }
0x62: {  	v32 =	vmul.f32 v30, v63;
	v9 =	vadd.f32 $9.998477100e-01, v31;
	v39 =	vmul.f32 $-1.741417500e-02, v37  }
0x63: {  	vm8 =	veq.s32 v14, $0x0;
	v49 =	vand.u32 v2, v46;
	v57 =	vand.u32 v1, v6  }
0x64: {  	v10 =	vadd.f32 $-1.903550770e-01, v32;
	v9 =	vmul.f32 v9, v11;
	v11 =	vadd.f32 $8.269169920e-02, v39  }
0x65: {  	v6 =	vand.u32 v2, v6;
	v34 =	vsel vm7, $0x0, v27;
	v8 =	vsel vm8, v8, v33  }
0x66: {  	v38 =	vadd.f32 $1.000000000e+00, v63;
	v10 =	vmul.f32 v10, v63;
	v11 =	vmul.f32 v11, v37  }
0x67: {  	v41 =	vsel vm8, $0x3F400000, v3;
	vm10 =	veq.s32 v49, $0x0;
	vm9 =	vge.f32 v8, $0.0e+00  }
0x68: {  	v8 =	vmax.f32 v8, $0.0e+00;
	v10 =	vadd.f32 $3.157478570e-01, v10;
	v11 =	vadd.f32 $-1.903550770e-01, v11  }
0x69: {  	v47 =	vld [tilespmem:s19+$0x2000];
	(erf) = vrcp.f32 v38;
	v9 =	vadd.f32 $1.470937830e-06, v9;
	v48 =	vadd.f32 $1.000000000e+00, v37  }
0x6a: {  	v56 =	vld [tilespmem:s22+$0x2000];
	v36 =	vsub.f32 $1.000000000e+00, v35;
	v44 =	vmul.f32 v10, v63;
	v11 =	vmul.f32 v11, v37  }
0x6b: {  	vm13 =	veq.s32 v57, $0x0;
	v8 =	vadd.f32 v9, v8;
	(erf) = vrcp.f32 v48  }
0x6c: {  	v12 =	vsel vm9, v35, v36;
	v9 =	vadd.f32 $-4.973734020e-01, v44;
	v11 =	vadd.f32 $3.157478570e-01, v11  }
0x6d: {  	vm14 =	veq.s32 v6, $0x0;
	v42 =	vmul.f32 v34, v41;
	v12 =	vmul.f32 v12, v12  }
0x6e: {  	v51 =	vsel vm10, $0x0, v47;
	v9 =	vmul.f32 v9, v63;
	v11 =	vmul.f32 v11, v37  }
0x6f: {  	v6 =	vsel vm13, v16, v58;
	v14 =	vsel vm14, $0x0, v56;
	v45 =	vmul.f32 v12, v42  }
0x70: {  	v12 =	vand.u32 v1, v46;
	v9 =	vadd.f32 $9.998477100e-01, v9;
	v11 =	vadd.f32 $-4.973734020e-01, v11  }
0x71: {  	v62 =	vsel vm13, $0x3F400000, v3;
	vm15 =	vge.f32 v6, $0.0e+00;
	vm11 =	veq.s32 v12, $0x0  }
0x72: {  	v7 =	vsel vm11, v7, v50;
	v52 =	vpop (erf);
	v9 =	vmul.f32 v9, v63;
	v11 =	vmul.f32 v11, v37  }
0x73: {  	v54 =	vsel vm11, $0x3F400000, v3;
	vm12 =	vge.f32 v7, $0.0e+00;
	v53 =	vsub.f32 $1.000000000e+00, v52  }
0x74: {  	v17 =	vmul.f32 v51, v54;
	v9 =	vadd.f32 $1.470937830e-06, v9;
	v60 =	vpop (erf);
	v59 =	vadd.f32 $9.998477100e-01, v11  }
0x75: {  	v7 =	vmax.f32 v7, $0.0e+00;
	v10 =	vsel vm12, v52, v53;
	v61 =	vsub.f32 $1.000000000e+00, v60  }
0x76: {  	v10 =	vmul.f32 v10, v10;
	v7 =	vadd.f32 v9, v7;
	v9 =	vmul.f32 v59, v37  }
0x77: {  	v15 =	vmul.f32 v14, v62;
	v8 =	vmul.f32 v8, v45;
	v11 =	vsel vm15, v60, v61  }
0x78: {  	s17 =	sadd.s32 $0x1, s17;
	v10 =	vmul.f32 v10, v17;
	v11 =	vmul.f32 v11, v11;
	v9 =	vadd.f32 $1.470937830e-06, v9  }
0x79: {  	p0 =	sne.s32 s17, $0x10;
	v5 =	vadd.f32 v34, v5;
	v6 =	vmax.f32 v6, $0.0e+00;
	v4 =	vadd.f32 v8, v4  }
.Ltmp1:
0x7a: {  	v7 =	vmul.f32 v7, v10;
	v63 =	vmul.f32 v11, v15;
	v6 =	vadd.f32 v9, v6;
	(pc) =	sbr.rel @p0 .LBB2_3-.Ltmp1, $3  }
0x7b: {  	_ = 	snop  }
0x7c: {  	v5 =	vadd.f32 v51, v5;
	v4 =	vadd.f32 v7, v4;
	v6 =	vmul.f32 v6, v63;
	_ =	sdelay $0x1  }
0x7d: {  	v5 =	vadd.f32 v14, v5;
	v4 =	vadd.f32 v6, v4  }
0x7e: {  	s15 =	sadd.s32 $0x1, s15  }
0x7f: {  	p0 =	sne.s32 s15, $0x5  }
.Ltmp2:
0x80: {  	_ = 	snop;
	(pc) =	sbr.rel @p0 .LBB2_2-.Ltmp2, $1  }
0x81: {  	_ =	sdelay $0x3  }
0x82: {  	s14 =	sadd.s32 $0x1, s14  }
0x83: {  	[tilespmem:$0x4800] =	vst v4;
	p0 =	sne.s32 s14, s9  }
.Ltmp3:
0x84: {  	[tilespmem:$0x4880] =	vst v5;
	(pc) =	sbr.rel @p0 .LBB2_1-.Ltmp3, $4  }
0x85: {  	[hbm4b:s8+s5] =	stream.linear.scatter [tilespmem:s13], [sflag:$0x1], $0x100, $0x38;
	[tilespmem:$0x4900] =	vst v63  }
0x86: {  	_ =	swait.ge [sflag:s10], $0x100  }
0x87: {  	[sflag:s10] =	ssyncset.done $0x0  }
0x88: {  	[sflag:s10] =	ssyncadd.s32 $0xFFFFFF00  }
0x89: {  	_ =	sfence.sel $0x180000  }
0x8a: {  	[bflag:$0x0] =	sbarrier.arrive $0xFFFF  }
0x8b: {  	p0 =	sne.s32 s4, $0x0;
	_ =	strace $0x90000047  }
0x8c: {  	s0 =	sadd.s32 @!p0 $0x100000, s2;
	[bflag:$0x2] =	sbarrier.arrive $0xFFFF  }
0x8d: {  	[sflag:s0] =	ssyncadd.tile.s32 @!p0 $0x1;
	_ =	shalt  }
.Lfunc_end2:
_tile_overlayer_lowered:
.L_overlay_start_2:
0x8e: {  	(tag) =	ssettag $0x2  }
0x8f: {  	s0 =	rddreg [dreg:$0x0];
	s2 =	stileid.u32  }
0x90: {  	s1 =	rddreg [dreg:$0x1];
	p0 =	sne.s32 s2, $0x0  }
0x91: {  	s3 =	rddreg [dreg:$0x2];
	[bflag:$0x3] =	sbarrier.arrive $0xFFFF;
	s2 =	simm.s32 @!p0 $0x1C01  }
0x92: {  	[timem:s3], [sflag:s2] =	dma.local @!p0 [hbm:s0], s1  }
0x93: {  	s0 =	simm.s32 @!p0 $0x1  }
0x94: {  	_ =	swait.ge @!p0 [sflag:s0], s1  }
0x95: {  	s1 =	ssub.s32 @!p0 $0x0, s1;
	[sflag:s0] =	ssyncset.done @!p0 $0x0  }
0x96: {  	[sflag:s0] =	ssyncadd.s32 @!p0 s1  }
0x97: {  	[bflag:$0x3] =	sbarrier.arrive $0xFFFF  }
0x98: {  	_ =	shalt  }

</sc_bundles>
